<compile_context>
chip_gen: v7x
topology: tpu7x:2x2x1
jax: 0.10.2.dev20260603
libtpu: 0.0.44.dev20260713+nightly
codegen_flags: <defaults>
</compile_context>

<pallas_src>
import functools

import jax
import jax.numpy as jnp
from jax import lax
from jax.experimental import pallas as pl
from jax.experimental.pallas import tpu as pltpu
from jax.experimental.pallas import tpu_sc as plsc

E = 800000
NNZ = 3200000
NUM_OUTER = 5
K_INNER = 3
NT = 16

S_CHUNK = 2048
S_CHUNKS = 98
NNZ_PAD = NT * S_CHUNKS * S_CHUNK

E_PER_T = E // NT
V_CHUNK = 2000
V_CHUNKS = E_PER_T // V_CHUNK

_LN2 = 0.6931471805599453
_P_FWD = 1.852
_P_INV = 1.0 / 1.852


def _powp(x_abs, p):
    bits = lax.bitcast_convert_type(x_abs, jnp.int32)
    e = lax.shift_right_logical(bits, 23) - 127
    m_bits = jnp.bitwise_or(jnp.bitwise_and(bits, 0x7FFFFF), 0x3F800000)
    m = lax.bitcast_convert_type(m_bits, jnp.float32)
    z = (m - 1.0) / (m + 1.0)
    z2 = z * z
    log2m = z * (2.885390081777927
                 + z2 * (0.961796693925976
                         + z2 * (0.5770780163555854
                                 + z2 * 0.41219858311113242)))
    t = (e.astype(jnp.float32) + log2m) * (p * _LN2)
    return jnp.exp(t)


def _sc_body(i0d, i1d, wdn, i0u, i1u, wun, fv, nonvirt, resv, lc, consts,
             f_out, h_out, fsave, dsave, dhsave,
             FB, GB, i0b, i1b, wb, valb,
             ga, gb_, gc, gd, ge, gf, gg, sem):
    tid = lax.axis_index("s")
    ebase = tid * E_PER_T
    sbase = tid * (S_CHUNKS * S_CHUNK)

    cv = pltpu.sync_copy

    def init_chunk(c, _):
        off = ebase + c * V_CHUNK
        cv(fv.at[pl.ds(off, V_CHUNK)], ga)
        cv(ga, FB.at[pl.ds(off, V_CHUNK)])
        cv(ga, GB.at[pl.ds(off, V_CHUNK)])

        def zero_v(j, _):
            gb_[pl.ds(j * 16, 16)] = jnp.zeros((16,), jnp.float32)
            return 0
        lax.fori_loop(0, V_CHUNK // 16, zero_v, 0)
        cv(gb_, dhsave.at[pl.ds(off, V_CHUNK)])
        return 0
    lax.fori_loop(0, V_CHUNKS, init_chunk, 0)
    cv(consts, ga.at[pl.ds(0, 32)])
    mdv = ga[pl.ds(0, 16)]
    muv = ga[pl.ds(16, 16)]
    plsc.subcore_barrier()

    def scatter_phase(i0_hbm, i1_hbm, w_hbm, src_ref, dst_ref):
        def chunk(c, _):
            off = sbase + c * S_CHUNK
            cv(i1_hbm.at[pl.ds(off, S_CHUNK)], i1b)
            cv(w_hbm.at[pl.ds(off, S_CHUNK)], wb)
            cv(i0_hbm.at[pl.ds(off, S_CHUNK)], i0b)
            pltpu.async_copy(src_ref.at[i1b], valb, sem).wait()

            def mul_v(j, _):
                s = pl.ds(j * 16, 16)
                valb[s] = valb[s] * wb[s]
                return 0
            lax.fori_loop(0, S_CHUNK // 16, mul_v, 0)
            cv(valb, dst_ref.at[i0b], add=True)
            return 0
        lax.fori_loop(0, S_CHUNKS, chunk, 0)

    def outer_body(o, _):
        def inner_body(i, _):
            scatter_phase(i0d, i1d, wdn, FB, GB)
            plsc.subcore_barrier()

            def ew_chunk(c, _):
                off = ebase + c * V_CHUNK
                cv(GB.at[pl.ds(off, V_CHUNK)], ga)
                cv(FB.at[pl.ds(off, V_CHUNK)], gb_)
                cv(fv.at[pl.ds(off, V_CHUNK)], gc)
                cv(nonvirt.at[pl.ds(off, V_CHUNK)], gd)

                def upd_v(j, _):
                    s = pl.ds(j * 16, 16)
                    fn = gc[s] + gd[s] * ga[s]
                    delta = fn - gb_[s]
                    ga[s] = fn + mdv * delta
                    gb_[s] = fn
                    gc[s] = delta
                    return 0
                lax.fori_loop(0, V_CHUNK // 16, upd_v, 0)
                cv(gb_, FB.at[pl.ds(off, V_CHUNK)])
                cv(ga, GB.at[pl.ds(off, V_CHUNK)])

                @pl.when(i == K_INNER - 1)
                def _():
                    cv(gc, dsave.at[pl.ds(off, V_CHUNK)])
                    cv(gb_, fsave.at[pl.ds(off, V_CHUNK)])
                return 0
            lax.fori_loop(0, V_CHUNKS, ew_chunk, 0)
            plsc.subcore_barrier()
            return 0
        lax.fori_loop(0, K_INNER, inner_body, 0)

        def hpre_chunk(c, _):
            off = ebase + c * V_CHUNK
            cv(FB.at[pl.ds(off, V_CHUNK)], ga)
            cv(lc.at[pl.ds(off, V_CHUNK)], gb_)
            cv(dhsave.at[pl.ds(off, V_CHUNK)], gc)

            def hp_v(j, _):
                s = pl.ds(j * 16, 16)
                f = ga[s]
                hp = gb_[s] * _powp(jnp.abs(f), _P_FWD) * jnp.sign(f)
                ga[s] = hp
                gc[s] = hp + muv * gc[s]
                return 0
            lax.fori_loop(0, V_CHUNK // 16, hp_v, 0)
            cv(ga, GB.at[pl.ds(off, V_CHUNK)])
            cv(gc, FB.at[pl.ds(off, V_CHUNK)])
            return 0
        lax.fori_loop(0, V_CHUNKS, hpre_chunk, 0)
        plsc.subcore_barrier()

        scatter_phase(i0u, i1u, wun, GB, FB)
        plsc.subcore_barrier()

        def post_chunk(c, _):
            off = ebase + c * V_CHUNK
            cv(FB.at[pl.ds(off, V_CHUNK)], ga)
            cv(GB.at[pl.ds(off, V_CHUNK)], gb_)
            cv(dhsave.at[pl.ds(off, V_CHUNK)], gc)
            cv(nonvirt.at[pl.ds(off, V_CHUNK)], gd)
            cv(lc.at[pl.ds(off, V_CHUNK)], ge)
            cv(fsave.at[pl.ds(off, V_CHUNK)], gf)
            cv(resv.at[pl.ds(off, V_CHUNK)], gg)

            def post_v(j, _):
                s = pl.ds(j * 16, 16)
                nv = gd[s]
                hp = gb_[s]
                hv = hp + muv * gc[s]
                h = nv * ga[s] + (1.0 - nv) * hv
                dh = h - hp
                y = _powp((jnp.abs(h) + 1e-12) / ge[s], _P_INV) * jnp.sign(h)
                fnew = gg[s] * gf[s] + (1.0 - gg[s]) * y
                ga[s] = h
                gb_[s] = dh
                gc[s] = fnew
                return 0
            lax.fori_loop(0, V_CHUNK // 16, post_v, 0)
            cv(ga, h_out.at[pl.ds(off, V_CHUNK)])
            cv(gb_, dhsave.at[pl.ds(off, V_CHUNK)])
            cv(gc, FB.at[pl.ds(off, V_CHUNK)])
            cv(gc, f_out.at[pl.ds(off, V_CHUNK)])
            cv(dsave.at[pl.ds(off, V_CHUNK)], gf)

            def g_v(j, _):
                s = pl.ds(j * 16, 16)
                gc[s] = gc[s] + mdv * gf[s]
                return 0
            lax.fori_loop(0, V_CHUNK // 16, g_v, 0)
            cv(gc, GB.at[pl.ds(off, V_CHUNK)])
            return 0
        lax.fori_loop(0, V_CHUNKS, post_chunk, 0)
        plsc.subcore_barrier()
        return 0

    lax.fori_loop(0, NUM_OUTER, outer_body, 0)


@functools.partial(
    pl.kernel,
    out_type=(
        jax.ShapeDtypeStruct((E,), jnp.float32),
        jax.ShapeDtypeStruct((E,), jnp.float32),
        jax.ShapeDtypeStruct((E,), jnp.float32),
        jax.ShapeDtypeStruct((E,), jnp.float32),
        jax.ShapeDtypeStruct((E,), jnp.float32),
    ),
    mesh=plsc.VectorSubcoreMesh(
        core_axis_name="c", subcore_axis_name="s", num_cores=1),
    scratch_types=[
        pltpu.VMEM_SHARED((E,), jnp.float32),
        pltpu.VMEM_SHARED((E,), jnp.float32),
        pltpu.VMEM((S_CHUNK,), jnp.int32),
        pltpu.VMEM((S_CHUNK,), jnp.int32),
        pltpu.VMEM((S_CHUNK,), jnp.float32),
        pltpu.VMEM((S_CHUNK,), jnp.float32),
        pltpu.VMEM((V_CHUNK,), jnp.float32),
        pltpu.VMEM((V_CHUNK,), jnp.float32),
        pltpu.VMEM((V_CHUNK,), jnp.float32),
        pltpu.VMEM((V_CHUNK,), jnp.float32),
        pltpu.VMEM((V_CHUNK,), jnp.float32),
        pltpu.VMEM((V_CHUNK,), jnp.float32),
        pltpu.VMEM((V_CHUNK,), jnp.float32),
        pltpu.SemaphoreType.DMA,
    ],
)
def _diffusion_sc(*refs):
    _sc_body(*refs)


def kernel(x, edge_attr, edge_index, lower_laplacian_index,
           lower_laplacian_weight, upper_laplacian_index,
           upper_laplacian_weight, tau_down, tau_up,
           momentum_down, momentum_up, k):
    virtual = edge_attr[:, 2] == 1.0
    fv = jnp.where(virtual, edge_attr[:, 0], 0.0).astype(jnp.float32)
    nonvirt = 1.0 - virtual.astype(jnp.float32)
    resv = (edge_attr[:, 3] == 1.0).astype(jnp.float32)
    lc = jnp.clip(edge_attr[:, 1], 1e-5, None).astype(jnp.float32)
    wdn = (lower_laplacian_weight * (-tau_down)).astype(jnp.float32)
    wun = (upper_laplacian_weight * (-tau_up)).astype(jnp.float32)

    pad = NNZ_PAD - NNZ
    pad_idx = (jnp.arange(pad, dtype=jnp.int32) * 17) % E
    zpad = jnp.zeros((pad,), jnp.float32)
    i0d = jnp.concatenate([lower_laplacian_index[0], pad_idx])
    i1d = jnp.concatenate([lower_laplacian_index[1], pad_idx])
    wdn = jnp.concatenate([wdn, zpad])
    i0u = jnp.concatenate([upper_laplacian_index[0], pad_idx])
    i1u = jnp.concatenate([upper_laplacian_index[1], pad_idx])
    wun = jnp.concatenate([wun, zpad])

    consts = jnp.concatenate([
        jnp.full((16,), momentum_down, jnp.float32),
        jnp.full((16,), momentum_up, jnp.float32),
    ])

    f, h, _, _, _ = _diffusion_sc(i0d, i1d, wdn, i0u, i1u, wun,
                                  fv, nonvirt, resv, lc, consts)
    return f[:, None], h[:, None]

# --- scband reference (transcript-rebuilt; emitter-appended) ---
"""Pipeline reference for scband-diffusion-82446192214221 (READ-ONLY COPY).

The authoritative reference and input builder live on the scoring server;
editing this copy changes nothing except your own understanding.
"""

import jax, jax.numpy as jnp
import numpy as np

N_NODES = 100000
E = 800000
NNZ = 3200000
NUM_OUTER = 5


def _fp(y, index, weight):
    # DiffusionStep: sparse Laplacian matvec via gather + scatter-add
    msg = weight[:, None] * y[index[1]]
    return jax.ops.segment_sum(msg, index[0], num_segments=E)


def _forward(x, edge_attr, lower_laplacian_index, lower_laplacian_weight,
             upper_laplacian_index, upper_laplacian_weight,
             tau_down, tau_up, momentum_down, momentum_up, k):
    virtual = (edge_attr[:, -2] == 1.0)[:, None]
    reservoir_connector = (edge_attr[:, -1] == 1.0)[:, None]
    # known_nodes = (x[:, 3] == 1); inputs are uniform(0,1) so known_nodes.sum()==0
    # -> the h_known / virtual-reservoir branch is never taken (h_known = None)
    f_true = edge_attr[:, 0:1]
    loss_coefficient = jnp.clip(edge_attr[:, 1:2], 1e-05, None)
    f = jnp.where(virtual, f_true, 0.0)
    delta_f = jnp.zeros_like(f)
    delta_h = jnp.zeros_like(f)
    # torch drops upper-Laplacian entries where virtual[index[0]]; zeroing the
    # weight is mathematically identical for the scatter-add and keeps shapes static
    mask_ = virtual[upper_laplacian_index[0], 0]
    weight_up = jnp.where(mask_, 0.0, upper_laplacian_weight) * tau_up
    weight_down = lower_laplacian_weight * tau_down
    h = jnp.zeros_like(f)

    def _inner(i, carry):
        f_c, delta_f_c = carry
        f_old = f_c
        f_new = f_c - _fp(f_c, lower_laplacian_index, weight_down) + momentum_down * delta_f_c
        f_new = jnp.where(virtual, f_true, f_new)
        return (f_new, f_new - f_old)

    for _ in range(NUM_OUTER):
        f, delta_f = jax.lax.fori_loop(0, k, _inner, (f, delta_f))
        h = loss_coefficient * jnp.power(jnp.abs(f), 1.852) * jnp.sign(f)
        h_old = h
        h = h - _fp(h, upper_laplacian_index, weight_up) + momentum_up * delta_h
        delta_h = h - h_old
        y_new = jnp.power((jnp.abs(h) + 1e-12) / loss_coefficient, 1.0 / 1.852) * jnp.sign(h)
        f = jnp.where(~reservoir_connector, y_new, f)
    return (f, h)


def setup_inputs(seed: int = 0):
    key = jax.random.key(seed)
    ks = jax.random.split(key, 8)
    x = jax.random.uniform(ks[0], (N_NODES, 8), dtype=jnp.float32)
    edge_attr = jax.random.randint(ks[1], (E, 4), 0, 2).astype(jnp.float32)
    edge_index = jax.random.randint(ks[2], (2, E), 0, N_NODES).astype(jnp.int32)
    lower_laplacian_index = jax.random.randint(ks[3], (2, NNZ), 0, E).astype(jnp.int32)
    lower_laplacian_weight = jax.random.normal(ks[4], (NNZ,), dtype=jnp.float32) * 0.001
    upper_laplacian_index = jax.random.randint(ks[5], (2, NNZ), 0, E).astype(jnp.int32)
    upper_laplacian_weight = jax.random.normal(ks[6], (NNZ,), dtype=jnp.float32) * 0.001
    return {
        "x": x,
        "edge_attr": edge_attr,
        "edge_index": edge_index,
        "lower_laplacian_index": lower_laplacian_index,
        "lower_laplacian_weight": lower_laplacian_weight,
        "upper_laplacian_index": upper_laplacian_index,
        "upper_laplacian_weight": upper_laplacian_weight,
        "tau_down": 0.1,
        "tau_up": 0.1,
        "momentum_down": 0.5,
        "momentum_up": 0.5,
        "k": 3,
    }


def reference(x, edge_attr, edge_index, lower_laplacian_index, lower_laplacian_weight,
              upper_laplacian_index, upper_laplacian_weight,
              tau_down, tau_up, momentum_down, momentum_up, k):
    # edge_index is only used in the known-reservoir branch, which is not taken here
    return _forward(x, edge_attr, lower_laplacian_index, lower_laplacian_weight,
                    upper_laplacian_index, upper_laplacian_weight,
                    tau_down, tau_up, momentum_down, momentum_up, k)

if __name__ == "__main__":
    import jax
    _d = setup_inputs()
    print(jax.jit(kernel)(*tuple(_d.values())))

</pallas_src>

<mosaic_0001>
#map = affine_map<(d0, d1) -> (0)>
module attributes {stable_mosaic.version = 14 : i64} {
  func.func @_diffusion_sc(%arg0: i32, %arg1: i32, %arg2: memref<3211264xi32, #tpu.memory_space<hbm>>, %arg3: memref<3211264xi32, #tpu.memory_space<hbm>>, %arg4: memref<3211264xf32, #tpu.memory_space<hbm>>, %arg5: memref<3211264xi32, #tpu.memory_space<hbm>>, %arg6: memref<3211264xi32, #tpu.memory_space<hbm>>, %arg7: memref<3211264xf32, #tpu.memory_space<hbm>>, %arg8: memref<800000xf32, #tpu.memory_space<hbm>>, %arg9: memref<800000xf32, #tpu.memory_space<hbm>>, %arg10: memref<800000xf32, #tpu.memory_space<hbm>>, %arg11: memref<800000xf32, #tpu.memory_space<hbm>>, %arg12: memref<32xf32, #tpu.memory_space<hbm>>, %arg13: memref<800000xf32, #tpu.memory_space<hbm>>, %arg14: memref<800000xf32, #tpu.memory_space<hbm>>, %arg15: memref<800000xf32, #tpu.memory_space<hbm>>, %arg16: memref<800000xf32, #tpu.memory_space<hbm>>, %arg17: memref<800000xf32, #tpu.memory_space<hbm>>, %arg18: memref<800000xf32, #tpu.memory_space<vmem_shared>>, %arg19: memref<800000xf32, #tpu.memory_space<vmem_shared>>, %arg20: memref<2048xi32, #tpu.memory_space<vmem>>, %arg21: memref<2048xi32, #tpu.memory_space<vmem>>, %arg22: memref<2048xf32, #tpu.memory_space<vmem>>, %arg23: memref<2048xf32, #tpu.memory_space<vmem>>, %arg24: memref<2000xf32, #tpu.memory_space<vmem>>, %arg25: memref<2000xf32, #tpu.memory_space<vmem>>, %arg26: memref<2000xf32, #tpu.memory_space<vmem>>, %arg27: memref<2000xf32, #tpu.memory_space<vmem>>, %arg28: memref<2000xf32, #tpu.memory_space<vmem>>, %arg29: memref<2000xf32, #tpu.memory_space<vmem>>, %arg30: memref<2000xf32, #tpu.memory_space<vmem>>, %arg31: memref<!tpu.dma_semaphore, #tpu.memory_space<semaphore_mem>>) attributes {dimension_semantics = [#tpu.dimension_semantics<core_parallel>, #tpu.dimension_semantics<subcore_parallel>], iteration_bounds = array<i64: 1, 16>, scalar_prefetch = 0 : i64, scratch_operands = 14 : i64, tpu.core_type = #tpu.core_type<sc_vector_subcore>, window_params = [{transform_indices = #map}, {transform_indices = #map}, {transform_indices = #map}, {transform_indices = #map}, {transform_indices = #map}, {transform_indices = #map}, {transform_indices = #map}, {transform_indices = #map}, {transform_indices = #map}, {transform_indices = #map}, {transform_indices = #map}, {transform_indices = #map}, {transform_indices = #map}, {transform_indices = #map}, {transform_indices = #map}, {transform_indices = #map}]} {
    %mul3A = arith.constant 50000 : i32
    %mul3A_0 = arith.muli %arg1, %mul3A : i32
    %mul3A_1 = arith.constant 200704 : i32
    %mul3A_2 = arith.muli %arg1, %mul3A_1 : i32
    %scan3A = arith.constant 0 : i32
    %scan3A_3 = arith.constant 0 : i32
    %scan3A_4 = arith.constant 25 : i32
    %scan3A_5 = arith.addi %scan3A_3, %scan3A_4 : i32
    %scan3A_6 = arith.constant 1 : i32
    %scan3A_7 = scf.for %scan3A_21 = %scan3A_3 to %scan3A_5 step %scan3A_6 iter_args(%scan3A_22 = %scan3A) -> (i32)  : i32 {
      %mul3A_23 = arith.constant 2000 : i32
      %mul3A_24 = arith.muli %scan3A_21, %mul3A_23 : i32
      %add3A = arith.addi %mul3A_0, %mul3A_24 : i32
      "tpu.region"() ({
        %run_scoped3A = tpu.sem_alloc : memref<!tpu.dma_semaphore, #tpu.memory_space<semaphore_mem>>
        %dma_start3A = tpu.memref_slice %arg8[%add3A] : memref<800000xf32, #tpu.memory_space<hbm>> -> memref<2000xf32, #tpu.memory_space<hbm>>
        %dma_start3A_33 = tpu.memref_slice %arg8[%add3A] : memref<800000xf32, #tpu.memory_space<hbm>> -> memref<2000xf32, #tpu.memory_space<hbm>>
        tpu.enqueue_dma source(%dma_start3A_33 : memref<2000xf32, #tpu.memory_space<hbm>>) target(%arg24 : memref<2000xf32, #tpu.memory_space<vmem>>) target_semaphore(%run_scoped3A : memref<!tpu.dma_semaphore, #tpu.memory_space<semaphore_mem>>)
        %dma_wait3A = tpu.memref_slice %arg8[%add3A] : memref<800000xf32, #tpu.memory_space<hbm>> -> memref<2000xf32, #tpu.memory_space<hbm>>
        %dma_wait3A_34 = tpu.memref_slice %arg8[%add3A] : memref<800000xf32, #tpu.memory_space<hbm>> -> memref<2000xf32, #tpu.memory_space<hbm>>
        tpu.wait_dma2 semaphore(%run_scoped3A : memref<!tpu.dma_semaphore, #tpu.memory_space<semaphore_mem>>) src(%dma_wait3A_34 : memref<2000xf32, #tpu.memory_space<hbm>>) dst(%arg24 : memref<2000xf32, #tpu.memory_space<vmem>>)
        tpu.yield
      }) : () -> ()
      "tpu.region"() ({
        %run_scoped3A = tpu.sem_alloc : memref<!tpu.dma_semaphore, #tpu.memory_space<semaphore_mem>>
        %dma_start3A = tpu.memref_slice %arg18[%add3A] : memref<800000xf32, #tpu.memory_space<vmem_shared>> -> memref<2000xf32, #tpu.memory_space<vmem_shared>>
        %dma_start3A_33 = tpu.memref_slice %arg18[%add3A] : memref<800000xf32, #tpu.memory_space<vmem_shared>> -> memref<2000xf32, #tpu.memory_space<vmem_shared>>
        tpu.enqueue_dma source(%arg24 : memref<2000xf32, #tpu.memory_space<vmem>>) target(%dma_start3A_33 : memref<2000xf32, #tpu.memory_space<vmem_shared>>) target_semaphore(%run_scoped3A : memref<!tpu.dma_semaphore, #tpu.memory_space<semaphore_mem>>)
        %dma_wait3A = tpu.memref_slice %arg18[%add3A] : memref<800000xf32, #tpu.memory_space<vmem_shared>> -> memref<2000xf32, #tpu.memory_space<vmem_shared>>
        %dma_wait3A_34 = tpu.memref_slice %arg18[%add3A] : memref<800000xf32, #tpu.memory_space<vmem_shared>> -> memref<2000xf32, #tpu.memory_space<vmem_shared>>
        tpu.wait_dma2 semaphore(%run_scoped3A : memref<!tpu.dma_semaphore, #tpu.memory_space<semaphore_mem>>) src(%arg24 : memref<2000xf32, #tpu.memory_space<vmem>>) dst(%dma_wait3A_34 : memref<2000xf32, #tpu.memory_space<vmem_shared>>)
        tpu.yield
      }) : () -> ()
      "tpu.region"() ({
        %run_scoped3A = tpu.sem_alloc : memref<!tpu.dma_semaphore, #tpu.memory_space<semaphore_mem>>
        %dma_start3A = tpu.memref_slice %arg19[%add3A] : memref<800000xf32, #tpu.memory_space<vmem_shared>> -> memref<2000xf32, #tpu.memory_space<vmem_shared>>
        %dma_start3A_33 = tpu.memref_slice %arg19[%add3A] : memref<800000xf32, #tpu.memory_space<vmem_shared>> -> memref<2000xf32, #tpu.memory_space<vmem_shared>>
        tpu.enqueue_dma source(%arg24 : memref<2000xf32, #tpu.memory_space<vmem>>) target(%dma_start3A_33 : memref<2000xf32, #tpu.memory_space<vmem_shared>>) target_semaphore(%run_scoped3A : memref<!tpu.dma_semaphore, #tpu.memory_space<semaphore_mem>>)
        %dma_wait3A = tpu.memref_slice %arg19[%add3A] : memref<800000xf32, #tpu.memory_space<vmem_shared>> -> memref<2000xf32, #tpu.memory_space<vmem_shared>>
        %dma_wait3A_34 = tpu.memref_slice %arg19[%add3A] : memref<800000xf32, #tpu.memory_space<vmem_shared>> -> memref<2000xf32, #tpu.memory_space<vmem_shared>>
        tpu.wait_dma2 semaphore(%run_scoped3A : memref<!tpu.dma_semaphore, #tpu.memory_space<semaphore_mem>>) src(%arg24 : memref<2000xf32, #tpu.memory_space<vmem>>) dst(%dma_wait3A_34 : memref<2000xf32, #tpu.memory_space<vmem_shared>>)
        tpu.yield
      }) : () -> ()
      %scan3A_25 = arith.constant 0 : i32
      %scan3A_26 = arith.constant 0 : i32
      %scan3A_27 = arith.constant 125 : i32
      %scan3A_28 = arith.addi %scan3A_26, %scan3A_27 : i32
      %scan3A_29 = arith.constant 1 : i32
      %scan3A_30 = scf.for %scan3A_33 = %scan3A_26 to %scan3A_28 step %scan3A_29 iter_args(%scan3A_34 = %scan3A_25) -> (i32)  : i32 {
        %broadcast_in_dim3A = arith.constant 0.000000e+00 : f32
        %broadcast_in_dim3A_35 = vector.broadcast %broadcast_in_dim3A : f32 to vector<16xf32>
        %mul3A_36 = arith.constant 16 : i32
        %mul3A_37 = arith.muli %scan3A_33, %mul3A_36 : i32
        %swap3A = arith.index_cast %mul3A_37 : i32 to index
        %swap3A_38 = tpu.vector_load %arg25[%swap3A] {strides = array<i32>} : memref<2000xf32, #tpu.memory_space<vmem>>, vector<16xf32>,
        %swap3A_39 = vector.shape_cast %swap3A_38 : vector<16xf32> to vector<16xf32>
        %swap3A_40 = vector.shape_cast %broadcast_in_dim3A_35 : vector<16xf32> to vector<16xf32>
        tpu.vector_store %arg25[%swap3A], %swap3A_40 {strides = array<i32>} : memref<2000xf32, #tpu.memory_space<vmem>>, vector<16xf32>,
        %scan3A_41 = arith.constant 0 : i32
        scf.yield %scan3A_41 : i32
      }
      %scan3A_31 = arith.constant 125 : i32
      "tpu.region"() ({
        %run_scoped3A = tpu.sem_alloc : memref<!tpu.dma_semaphore, #tpu.memory_space<semaphore_mem>>
        %dma_start3A = tpu.memref_slice %arg17[%add3A] : memref<800000xf32, #tpu.memory_space<hbm>> -> memref<2000xf32, #tpu.memory_space<hbm>>
        %dma_start3A_33 = tpu.memref_slice %arg17[%add3A] : memref<800000xf32, #tpu.memory_space<hbm>> -> memref<2000xf32, #tpu.memory_space<hbm>>
        tpu.enqueue_dma source(%arg25 : memref<2000xf32, #tpu.memory_space<vmem>>) target(%dma_start3A_33 : memref<2000xf32, #tpu.memory_space<hbm>>) target_semaphore(%run_scoped3A : memref<!tpu.dma_semaphore, #tpu.memory_space<semaphore_mem>>)
        %dma_wait3A = tpu.memref_slice %arg17[%add3A] : memref<800000xf32, #tpu.memory_space<hbm>> -> memref<2000xf32, #tpu.memory_space<hbm>>
        %dma_wait3A_34 = tpu.memref_slice %arg17[%add3A] : memref<800000xf32, #tpu.memory_space<hbm>> -> memref<2000xf32, #tpu.memory_space<hbm>>
        tpu.wait_dma2 semaphore(%run_scoped3A : memref<!tpu.dma_semaphore, #tpu.memory_space<semaphore_mem>>) src(%arg25 : memref<2000xf32, #tpu.memory_space<vmem>>) dst(%dma_wait3A_34 : memref<2000xf32, #tpu.memory_space<hbm>>)
        tpu.yield
      }) : () -> ()
      %scan3A_32 = arith.constant 0 : i32
      scf.yield %scan3A_32 : i32
    }
    %scan3A_8 = arith.constant 25 : i32
    "tpu.region"() ({
      %run_scoped3A = tpu.sem_alloc : memref<!tpu.dma_semaphore, #tpu.memory_space<semaphore_mem>>
      %dma_start3A = arith.constant 0 : i32
      %dma_start3A_21 = tpu.memref_slice %arg24[%dma_start3A] : memref<2000xf32, #tpu.memory_space<vmem>> -> memref<32xf32, #tpu.memory_space<vmem>>
      %dma_start3A_22 = arith.constant 0 : i32
      %dma_start3A_23 = tpu.memref_slice %arg24[%dma_start3A_22] : memref<2000xf32, #tpu.memory_space<vmem>> -> memref<32xf32, #tpu.memory_space<vmem>>
      tpu.enqueue_dma source(%arg12 : memref<32xf32, #tpu.memory_space<hbm>>) target(%dma_start3A_23 : memref<32xf32, #tpu.memory_space<vmem>>) target_semaphore(%run_scoped3A : memref<!tpu.dma_semaphore, #tpu.memory_space<semaphore_mem>>)
      %dma_wait3A = arith.constant 0 : i32
      %dma_wait3A_24 = tpu.memref_slice %arg24[%dma_wait3A] : memref<2000xf32, #tpu.memory_space<vmem>> -> memref<32xf32, #tpu.memory_space<vmem>>
      %dma_wait3A_25 = arith.constant 0 : i32
      %dma_wait3A_26 = tpu.memref_slice %arg24[%dma_wait3A_25] : memref<2000xf32, #tpu.memory_space<vmem>> -> memref<32xf32, #tpu.memory_space<vmem>>
      tpu.wait_dma2 semaphore(%run_scoped3A : memref<!tpu.dma_semaphore, #tpu.memory_space<semaphore_mem>>) src(%arg12 : memref<32xf32, #tpu.memory_space<hbm>>) dst(%dma_wait3A_26 : memref<32xf32, #tpu.memory_space<vmem>>)
      tpu.yield
    }) : () -> ()
    %get3A = arith.constant 0 : index
    %get3A_9 = tpu.vector_load %arg24[%get3A] {strides = array<i32>} : memref<2000xf32, #tpu.memory_space<vmem>>, vector<16xf32>,
    %get3A_10 = vector.shape_cast %get3A_9 : vector<16xf32> to vector<16xf32>
    %get3A_11 = arith.constant 16 : index
    %get3A_12 = tpu.vector_load %arg24[%get3A_11] {strides = array<i32>} : memref<2000xf32, #tpu.memory_space<vmem>>, vector<16xf32>,
    %get3A_13 = vector.shape_cast %get3A_12 : vector<16xf32> to vector<16xf32>
    %barrier3A = arith.constant 0 : index
    tpu.barrier barrier_id(%barrier3A)
    %scan3A_14 = arith.constant 0 : i32
    %scan3A_15 = arith.constant 0 : i32
    %scan3A_16 = arith.constant 5 : i32
    %scan3A_17 = arith.addi %scan3A_15, %scan3A_16 : i32
    %scan3A_18 = arith.constant 1 : i32
    %scan3A_19 = scf.for %scan3A_21 = %scan3A_15 to %scan3A_17 step %scan3A_18 iter_args(%scan3A_22 = %scan3A_14) -> (i32)  : i32 {
      %scan3A_23 = arith.constant 0 : i32
      %scan3A_24 = arith.constant 0 : i32
      %scan3A_25 = arith.constant 3 : i32
      %scan3A_26 = arith.addi %scan3A_24, %scan3A_25 : i32
      %scan3A_27 = arith.constant 1 : i32
      %scan3A_28 = scf.for %scan3A_55 = %scan3A_24 to %scan3A_26 step %scan3A_27 iter_args(%scan3A_56 = %scan3A_23) -> (i32)  : i32 {
        %scan3A_57 = arith.constant 0 : i32
        %scan3A_58 = arith.constant 0 : i32
        %scan3A_59 = arith.constant 98 : i32
        %scan3A_60 = arith.addi %scan3A_58, %scan3A_59 : i32
        %scan3A_61 = arith.constant 1 : i32
        %scan3A_62 = scf.for %scan3A_74 = %scan3A_58 to %scan3A_60 step %scan3A_61 iter_args(%scan3A_75 = %scan3A_57) -> (i32)  : i32 {
          %mul3A_76 = arith.constant 2048 : i32
          %mul3A_77 = arith.muli %scan3A_74, %mul3A_76 : i32
          %add3A = arith.addi %mul3A_2, %mul3A_77 : i32
          "tpu.region"() ({
            %run_scoped3A = tpu.sem_alloc : memref<!tpu.dma_semaphore, #tpu.memory_space<semaphore_mem>>
            %dma_start3A_88 = tpu.memref_slice %arg3[%add3A] : memref<3211264xi32, #tpu.memory_space<hbm>> -> memref<2048xi32, #tpu.memory_space<hbm>>
            %dma_start3A_89 = tpu.memref_slice %arg3[%add3A] : memref<3211264xi32, #tpu.memory_space<hbm>> -> memref<2048xi32, #tpu.memory_space<hbm>>
            tpu.enqueue_dma source(%dma_start3A_89 : memref<2048xi32, #tpu.memory_space<hbm>>) target(%arg21 : memref<2048xi32, #tpu.memory_space<vmem>>) target_semaphore(%run_scoped3A : memref<!tpu.dma_semaphore, #tpu.memory_space<semaphore_mem>>)
            %dma_wait3A_90 = tpu.memref_slice %arg3[%add3A] : memref<3211264xi32, #tpu.memory_space<hbm>> -> memref<2048xi32, #tpu.memory_space<hbm>>
            %dma_wait3A_91 = tpu.memref_slice %arg3[%add3A] : memref<3211264xi32, #tpu.memory_space<hbm>> -> memref<2048xi32, #tpu.memory_space<hbm>>
            tpu.wait_dma2 semaphore(%run_scoped3A : memref<!tpu.dma_semaphore, #tpu.memory_space<semaphore_mem>>) src(%dma_wait3A_91 : memref<2048xi32, #tpu.memory_space<hbm>>) dst(%arg21 : memref<2048xi32, #tpu.memory_space<vmem>>)
            tpu.yield
          }) : () -> ()
          "tpu.region"() ({
            %run_scoped3A = tpu.sem_alloc : memref<!tpu.dma_semaphore, #tpu.memory_space<semaphore_mem>>
            %dma_start3A_88 = tpu.memref_slice %arg4[%add3A] : memref<3211264xf32, #tpu.memory_space<hbm>> -> memref<2048xf32, #tpu.memory_space<hbm>>
            %dma_start3A_89 = tpu.memref_slice %arg4[%add3A] : memref<3211264xf32, #tpu.memory_space<hbm>> -> memref<2048xf32, #tpu.memory_space<hbm>>
            tpu.enqueue_dma source(%dma_start3A_89 : memref<2048xf32, #tpu.memory_space<hbm>>) target(%arg22 : memref<2048xf32, #tpu.memory_space<vmem>>) target_semaphore(%run_scoped3A : memref<!tpu.dma_semaphore, #tpu.memory_space<semaphore_mem>>)
            %dma_wait3A_90 = tpu.memref_slice %arg4[%add3A] : memref<3211264xf32, #tpu.memory_space<hbm>> -> memref<2048xf32, #tpu.memory_space<hbm>>
            %dma_wait3A_91 = tpu.memref_slice %arg4[%add3A] : memref<3211264xf32, #tpu.memory_space<hbm>> -> memref<2048xf32, #tpu.memory_space<hbm>>
            tpu.wait_dma2 semaphore(%run_scoped3A : memref<!tpu.dma_semaphore, #tpu.memory_space<semaphore_mem>>) src(%dma_wait3A_91 : memref<2048xf32, #tpu.memory_space<hbm>>) dst(%arg22 : memref<2048xf32, #tpu.memory_space<vmem>>)
            tpu.yield
          }) : () -> ()
          "tpu.region"() ({
            %run_scoped3A = tpu.sem_alloc : memref<!tpu.dma_semaphore, #tpu.memory_space<semaphore_mem>>
            %dma_start3A_88 = tpu.memref_slice %arg2[%add3A] : memref<3211264xi32, #tpu.memory_space<hbm>> -> memref<2048xi32, #tpu.memory_space<hbm>>
            %dma_start3A_89 = tpu.memref_slice %arg2[%add3A] : memref<3211264xi32, #tpu.memory_space<hbm>> -> memref<2048xi32, #tpu.memory_space<hbm>>
            tpu.enqueue_dma source(%dma_start3A_89 : memref<2048xi32, #tpu.memory_space<hbm>>) target(%arg20 : memref<2048xi32, #tpu.memory_space<vmem>>) target_semaphore(%run_scoped3A : memref<!tpu.dma_semaphore, #tpu.memory_space<semaphore_mem>>)
            %dma_wait3A_90 = tpu.memref_slice %arg2[%add3A] : memref<3211264xi32, #tpu.memory_space<hbm>> -> memref<2048xi32, #tpu.memory_space<hbm>>
            %dma_wait3A_91 = tpu.memref_slice %arg2[%add3A] : memref<3211264xi32, #tpu.memory_space<hbm>> -> memref<2048xi32, #tpu.memory_space<hbm>>
            tpu.wait_dma2 semaphore(%run_scoped3A : memref<!tpu.dma_semaphore, #tpu.memory_space<semaphore_mem>>) src(%dma_wait3A_91 : memref<2048xi32, #tpu.memory_space<hbm>>) dst(%arg20 : memref<2048xi32, #tpu.memory_space<vmem>>)
            tpu.yield
          }) : () -> ()
          %dma_start3A = arith.constant 0 : i32
          %dma_start3A_78 = tpu.memref_slice %arg18[%dma_start3A] : memref<800000xf32, #tpu.memory_space<vmem_shared>> -> memref<800000xf32, #tpu.memory_space<vmem_shared>>
          tpu.enqueue_indirect_dma source(%dma_start3A_78 : memref<800000xf32, #tpu.memory_space<vmem_shared>>) target(%arg23 : memref<2048xf32, #tpu.memory_space<vmem>>) offsets(%arg21 : memref<2048xi32, #tpu.memory_space<vmem>>) semaphore(%arg31 : memref<!tpu.dma_semaphore, #tpu.memory_space<semaphore_mem>>)
          %dma_wait3A = arith.constant 0 : i32
          %dma_wait3A_79 = tpu.memref_slice %arg18[%dma_wait3A] : memref<800000xf32, #tpu.memory_space<vmem_shared>> -> memref<800000xf32, #tpu.memory_space<vmem_shared>>
          tpu.wait_indirect_dma semaphore(%arg31 : memref<!tpu.dma_semaphore, #tpu.memory_space<semaphore_mem>>) src(%dma_wait3A_79 : memref<800000xf32, #tpu.memory_space<vmem_shared>>) dst(%arg23 : memref<2048xf32, #tpu.memory_space<vmem>>)
          %scan3A_80 = arith.constant 0 : i32
          %scan3A_81 = arith.constant 0 : i32
          %scan3A_82 = arith.constant 128 : i32
          %scan3A_83 = arith.addi %scan3A_81, %scan3A_82 : i32
          %scan3A_84 = arith.constant 1 : i32
          %scan3A_85 = scf.for %scan3A_88 = %scan3A_81 to %scan3A_83 step %scan3A_84 iter_args(%scan3A_89 = %scan3A_80) -> (i32)  : i32 {
            %mul3A_90 = arith.constant 16 : i32
            %mul3A_91 = arith.muli %scan3A_88, %mul3A_90 : i32
            %get3A_92 = arith.index_cast %mul3A_91 : i32 to index
            %get3A_93 = tpu.vector_load %arg23[%get3A_92] {strides = array<i32>} : memref<2048xf32, #tpu.memory_space<vmem>>, vector<16xf32>,
            %get3A_94 = vector.shape_cast %get3A_93 : vector<16xf32> to vector<16xf32>
            %get3A_95 = arith.index_cast %mul3A_91 : i32 to index
            %get3A_96 = tpu.vector_load %arg22[%get3A_95] {strides = array<i32>} : memref<2048xf32, #tpu.memory_space<vmem>>, vector<16xf32>,
            %get3A_97 = vector.shape_cast %get3A_96 : vector<16xf32> to vector<16xf32>
            %mul3A_98 = arith.mulf %get3A_94, %get3A_97 : vector<16xf32>
            %swap3A = arith.index_cast %mul3A_91 : i32 to index
            %swap3A_99 = tpu.vector_load %arg23[%swap3A] {strides = array<i32>} : memref<2048xf32, #tpu.memory_space<vmem>>, vector<16xf32>,
            %swap3A_100 = vector.shape_cast %swap3A_99 : vector<16xf32> to vector<16xf32>
            %swap3A_101 = vector.shape_cast %mul3A_98 : vector<16xf32> to vector<16xf32>
            tpu.vector_store %arg23[%swap3A], %swap3A_101 {strides = array<i32>} : memref<2048xf32, #tpu.memory_space<vmem>>, vector<16xf32>,
            %scan3A_102 = arith.constant 0 : i32
            scf.yield %scan3A_102 : i32
          }
          %scan3A_86 = arith.constant 128 : i32
          "tpu.region"() ({
            %run_scoped3A = tpu.sem_alloc : memref<!tpu.dma_semaphore, #tpu.memory_space<semaphore_mem>>
            %dma_start3A_88 = arith.constant 0 : i32
            %dma_start3A_89 = tpu.memref_slice %arg19[%dma_start3A_88] : memref<800000xf32, #tpu.memory_space<vmem_shared>> -> memref<800000xf32, #tpu.memory_space<vmem_shared>>
            tpu.enqueue_indirect_dma source(%arg23 : memref<2048xf32, #tpu.memory_space<vmem>>) target(%dma_start3A_89 : memref<800000xf32, #tpu.memory_space<vmem_shared>>) offsets(%arg20 : memref<2048xi32, #tpu.memory_space<vmem>>) semaphore(%run_scoped3A : memref<!tpu.dma_semaphore, #tpu.memory_space<semaphore_mem>>) {add = true}
            %dma_wait3A_90 = arith.constant 0 : i32
            %dma_wait3A_91 = tpu.memref_slice %arg19[%dma_wait3A_90] : memref<800000xf32, #tpu.memory_space<vmem_shared>> -> memref<800000xf32, #tpu.memory_space<vmem_shared>>
            tpu.wait_indirect_dma semaphore(%run_scoped3A : memref<!tpu.dma_semaphore, #tpu.memory_space<semaphore_mem>>) src(%arg23 : memref<2048xf32, #tpu.memory_space<vmem>>) dst(%dma_wait3A_91 : memref<800000xf32, #tpu.memory_space<vmem_shared>>)
            tpu.yield
          }) : () -> ()
          %scan3A_87 = arith.constant 0 : i32
          scf.yield %scan3A_87 : i32
        }
        %scan3A_63 = arith.constant 98 : i32
        %barrier3A_64 = arith.constant 0 : index
        tpu.barrier barrier_id(%barrier3A_64)
        %scan3A_65 = arith.constant 0 : i32
        %scan3A_66 = arith.constant 0 : i32
        %scan3A_67 = arith.constant 25 : i32
        %scan3A_68 = arith.addi %scan3A_66, %scan3A_67 : i32
        %scan3A_69 = arith.constant 1 : i32
        %scan3A_70 = scf.for %scan3A_74 = %scan3A_66 to %scan3A_68 step %scan3A_69 iter_args(%scan3A_75 = %scan3A_65) -> (i32)  : i32 {
          %mul3A_76 = arith.constant 2000 : i32
          %mul3A_77 = arith.muli %scan3A_74, %mul3A_76 : i32
          %add3A = arith.addi %mul3A_0, %mul3A_77 : i32
          "tpu.region"() ({
            %run_scoped3A = tpu.sem_alloc : memref<!tpu.dma_semaphore, #tpu.memory_space<semaphore_mem>>
            %dma_start3A = tpu.memref_slice %arg19[%add3A] : memref<800000xf32, #tpu.memory_space<vmem_shared>> -> memref<2000xf32, #tpu.memory_space<vmem_shared>>
            %dma_start3A_88 = tpu.memref_slice %arg19[%add3A] : memref<800000xf32, #tpu.memory_space<vmem_shared>> -> memref<2000xf32, #tpu.memory_space<vmem_shared>>
            tpu.enqueue_dma source(%dma_start3A_88 : memref<2000xf32, #tpu.memory_space<vmem_shared>>) target(%arg24 : memref<2000xf32, #tpu.memory_space<vmem>>) target_semaphore(%run_scoped3A : memref<!tpu.dma_semaphore, #tpu.memory_space<semaphore_mem>>)
            %dma_wait3A = tpu.memref_slice %arg19[%add3A] : memref<800000xf32, #tpu.memory_space<vmem_shared>> -> memref<2000xf32, #tpu.memory_space<vmem_shared>>
            %dma_wait3A_89 = tpu.memref_slice %arg19[%add3A] : memref<800000xf32, #tpu.memory_space<vmem_shared>> -> memref<2000xf32, #tpu.memory_space<vmem_shared>>
            tpu.wait_dma2 semaphore(%run_scoped3A : memref<!tpu.dma_semaphore, #tpu.memory_space<semaphore_mem>>) src(%dma_wait3A_89 : memref<2000xf32, #tpu.memory_space<vmem_shared>>) dst(%arg24 : memref<2000xf32, #tpu.memory_space<vmem>>)
            tpu.yield
          }) : () -> ()
          "tpu.region"() ({
            %run_scoped3A = tpu.sem_alloc : memref<!tpu.dma_semaphore, #tpu.memory_space<semaphore_mem>>
            %dma_start3A = tpu.memref_slice %arg18[%add3A] : memref<800000xf32, #tpu.memory_space<vmem_shared>> -> memref<2000xf32, #tpu.memory_space<vmem_shared>>
            %dma_start3A_88 = tpu.memref_slice %arg18[%add3A] : memref<800000xf32, #tpu.memory_space<vmem_shared>> -> memref<2000xf32, #tpu.memory_space<vmem_shared>>
            tpu.enqueue_dma source(%dma_start3A_88 : memref<2000xf32, #tpu.memory_space<vmem_shared>>) target(%arg25 : memref<2000xf32, #tpu.memory_space<vmem>>) target_semaphore(%run_scoped3A : memref<!tpu.dma_semaphore, #tpu.memory_space<semaphore_mem>>)
            %dma_wait3A = tpu.memref_slice %arg18[%add3A] : memref<800000xf32, #tpu.memory_space<vmem_shared>> -> memref<2000xf32, #tpu.memory_space<vmem_shared>>
            %dma_wait3A_89 = tpu.memref_slice %arg18[%add3A] : memref<800000xf32, #tpu.memory_space<vmem_shared>> -> memref<2000xf32, #tpu.memory_space<vmem_shared>>
            tpu.wait_dma2 semaphore(%run_scoped3A : memref<!tpu.dma_semaphore, #tpu.memory_space<semaphore_mem>>) src(%dma_wait3A_89 : memref<2000xf32, #tpu.memory_space<vmem_shared>>) dst(%arg25 : memref<2000xf32, #tpu.memory_space<vmem>>)
            tpu.yield
          }) : () -> ()
          "tpu.region"() ({
            %run_scoped3A = tpu.sem_alloc : memref<!tpu.dma_semaphore, #tpu.memory_space<semaphore_mem>>
            %dma_start3A = tpu.memref_slice %arg8[%add3A] : memref<800000xf32, #tpu.memory_space<hbm>> -> memref<2000xf32, #tpu.memory_space<hbm>>
            %dma_start3A_88 = tpu.memref_slice %arg8[%add3A] : memref<800000xf32, #tpu.memory_space<hbm>> -> memref<2000xf32, #tpu.memory_space<hbm>>
            tpu.enqueue_dma source(%dma_start3A_88 : memref<2000xf32, #tpu.memory_space<hbm>>) target(%arg26 : memref<2000xf32, #tpu.memory_space<vmem>>) target_semaphore(%run_scoped3A : memref<!tpu.dma_semaphore, #tpu.memory_space<semaphore_mem>>)
            %dma_wait3A = tpu.memref_slice %arg8[%add3A] : memref<800000xf32, #tpu.memory_space<hbm>> -> memref<2000xf32, #tpu.memory_space<hbm>>
            %dma_wait3A_89 = tpu.memref_slice %arg8[%add3A] : memref<800000xf32, #tpu.memory_space<hbm>> -> memref<2000xf32, #tpu.memory_space<hbm>>
            tpu.wait_dma2 semaphore(%run_scoped3A : memref<!tpu.dma_semaphore, #tpu.memory_space<semaphore_mem>>) src(%dma_wait3A_89 : memref<2000xf32, #tpu.memory_space<hbm>>) dst(%arg26 : memref<2000xf32, #tpu.memory_space<vmem>>)
            tpu.yield
          }) : () -> ()
          "tpu.region"() ({
            %run_scoped3A = tpu.sem_alloc : memref<!tpu.dma_semaphore, #tpu.memory_space<semaphore_mem>>
            %dma_start3A = tpu.memref_slice %arg9[%add3A] : memref<800000xf32, #tpu.memory_space<hbm>> -> memref<2000xf32, #tpu.memory_space<hbm>>
            %dma_start3A_88 = tpu.memref_slice %arg9[%add3A] : memref<800000xf32, #tpu.memory_space<hbm>> -> memref<2000xf32, #tpu.memory_space<hbm>>
            tpu.enqueue_dma source(%dma_start3A_88 : memref<2000xf32, #tpu.memory_space<hbm>>) target(%arg27 : memref<2000xf32, #tpu.memory_space<vmem>>) target_semaphore(%run_scoped3A : memref<!tpu.dma_semaphore, #tpu.memory_space<semaphore_mem>>)
            %dma_wait3A = tpu.memref_slice %arg9[%add3A] : memref<800000xf32, #tpu.memory_space<hbm>> -> memref<2000xf32, #tpu.memory_space<hbm>>
            %dma_wait3A_89 = tpu.memref_slice %arg9[%add3A] : memref<800000xf32, #tpu.memory_space<hbm>> -> memref<2000xf32, #tpu.memory_space<hbm>>
            tpu.wait_dma2 semaphore(%run_scoped3A : memref<!tpu.dma_semaphore, #tpu.memory_space<semaphore_mem>>) src(%dma_wait3A_89 : memref<2000xf32, #tpu.memory_space<hbm>>) dst(%arg27 : memref<2000xf32, #tpu.memory_space<vmem>>)
            tpu.yield
          }) : () -> ()
          %scan3A_78 = arith.constant 0 : i32
          %scan3A_79 = arith.constant 0 : i32
          %scan3A_80 = arith.constant 125 : i32
          %scan3A_81 = arith.addi %scan3A_79, %scan3A_80 : i32
          %scan3A_82 = arith.constant 1 : i32
          %scan3A_83 = scf.for %scan3A_88 = %scan3A_79 to %scan3A_81 step %scan3A_82 iter_args(%scan3A_89 = %scan3A_78) -> (i32)  : i32 {
            %mul3A_90 = arith.constant 16 : i32
            %mul3A_91 = arith.muli %scan3A_88, %mul3A_90 : i32
            %get3A_92 = arith.index_cast %mul3A_91 : i32 to index
            %get3A_93 = tpu.vector_load %arg26[%get3A_92] {strides = array<i32>} : memref<2000xf32, #tpu.memory_space<vmem>>, vector<16xf32>,
            %get3A_94 = vector.shape_cast %get3A_93 : vector<16xf32> to vector<16xf32>
            %get3A_95 = arith.index_cast %mul3A_91 : i32 to index
            %get3A_96 = tpu.vector_load %arg27[%get3A_95] {strides = array<i32>} : memref<2000xf32, #tpu.memory_space<vmem>>, vector<16xf32>,
            %get3A_97 = vector.shape_cast %get3A_96 : vector<16xf32> to vector<16xf32>
            %get3A_98 = arith.index_cast %mul3A_91 : i32 to index
            %get3A_99 = tpu.vector_load %arg24[%get3A_98] {strides = array<i32>} : memref<2000xf32, #tpu.memory_space<vmem>>, vector<16xf32>,
            %get3A_100 = vector.shape_cast %get3A_99 : vector<16xf32> to vector<16xf32>
            %mul3A_101 = arith.mulf %get3A_97, %get3A_100 : vector<16xf32>
            %add3A_102 = arith.addf %get3A_94, %mul3A_101 : vector<16xf32>
            %get3A_103 = arith.index_cast %mul3A_91 : i32 to index
            %get3A_104 = tpu.vector_load %arg25[%get3A_103] {strides = array<i32>} : memref<2000xf32, #tpu.memory_space<vmem>>, vector<16xf32>,
            %get3A_105 = vector.shape_cast %get3A_104 : vector<16xf32> to vector<16xf32>
            %sub3A = arith.subf %add3A_102, %get3A_105 : vector<16xf32>
            %mul3A_106 = arith.mulf %get3A_10, %sub3A : vector<16xf32>
            %add3A_107 = arith.addf %add3A_102, %mul3A_106 : vector<16xf32>
            %swap3A = arith.index_cast %mul3A_91 : i32 to index
            %swap3A_108 = tpu.vector_load %arg24[%swap3A] {strides = array<i32>} : memref<2000xf32, #tpu.memory_space<vmem>>, vector<16xf32>,
            %swap3A_109 = vector.shape_cast %swap3A_108 : vector<16xf32> to vector<16xf32>
            %swap3A_110 = vector.shape_cast %add3A_107 : vector<16xf32> to vector<16xf32>
            tpu.vector_store %arg24[%swap3A], %swap3A_110 {strides = array<i32>} : memref<2000xf32, #tpu.memory_space<vmem>>, vector<16xf32>,
            %swap3A_111 = arith.index_cast %mul3A_91 : i32 to index
            %swap3A_112 = tpu.vector_load %arg25[%swap3A_111] {strides = array<i32>} : memref<2000xf32, #tpu.memory_space<vmem>>, vector<16xf32>,
            %swap3A_113 = vector.shape_cast %swap3A_112 : vector<16xf32> to vector<16xf32>
            %swap3A_114 = vector.shape_cast %add3A_102 : vector<16xf32> to vector<16xf32>
            tpu.vector_store %arg25[%swap3A_111], %swap3A_114 {strides = array<i32>} : memref<2000xf32, #tpu.memory_space<vmem>>, vector<16xf32>,
            %swap3A_115 = arith.index_cast %mul3A_91 : i32 to index
            %swap3A_116 = tpu.vector_load %arg26[%swap3A_115] {strides = array<i32>} : memref<2000xf32, #tpu.memory_space<vmem>>, vector<16xf32>,
            %swap3A_117 = vector.shape_cast %swap3A_116 : vector<16xf32> to vector<16xf32>
            %swap3A_118 = vector.shape_cast %sub3A : vector<16xf32> to vector<16xf32>
            tpu.vector_store %arg26[%swap3A_115], %swap3A_118 {strides = array<i32>} : memref<2000xf32, #tpu.memory_space<vmem>>, vector<16xf32>,
            %scan3A_119 = arith.constant 0 : i32
            scf.yield %scan3A_119 : i32
          }
          %scan3A_84 = arith.constant 125 : i32
          "tpu.region"() ({
            %run_scoped3A = tpu.sem_alloc : memref<!tpu.dma_semaphore, #tpu.memory_space<semaphore_mem>>
            %dma_start3A = tpu.memref_slice %arg18[%add3A] : memref<800000xf32, #tpu.memory_space<vmem_shared>> -> memref<2000xf32, #tpu.memory_space<vmem_shared>>
            %dma_start3A_88 = tpu.memref_slice %arg18[%add3A] : memref<800000xf32, #tpu.memory_space<vmem_shared>> -> memref<2000xf32, #tpu.memory_space<vmem_shared>>
            tpu.enqueue_dma source(%arg25 : memref<2000xf32, #tpu.memory_space<vmem>>) target(%dma_start3A_88 : memref<2000xf32, #tpu.memory_space<vmem_shared>>) target_semaphore(%run_scoped3A : memref<!tpu.dma_semaphore, #tpu.memory_space<semaphore_mem>>)
            %dma_wait3A = tpu.memref_slice %arg18[%add3A] : memref<800000xf32, #tpu.memory_space<vmem_shared>> -> memref<2000xf32, #tpu.memory_space<vmem_shared>>
            %dma_wait3A_89 = tpu.memref_slice %arg18[%add3A] : memref<800000xf32, #tpu.memory_space<vmem_shared>> -> memref<2000xf32, #tpu.memory_space<vmem_shared>>
            tpu.wait_dma2 semaphore(%run_scoped3A : memref<!tpu.dma_semaphore, #tpu.memory_space<semaphore_mem>>) src(%arg25 : memref<2000xf32, #tpu.memory_space<vmem>>) dst(%dma_wait3A_89 : memref<2000xf32, #tpu.memory_space<vmem_shared>>)
            tpu.yield
          }) : () -> ()
          "tpu.region"() ({
            %run_scoped3A = tpu.sem_alloc : memref<!tpu.dma_semaphore, #tpu.memory_space<semaphore_mem>>
            %dma_start3A = tpu.memref_slice %arg19[%add3A] : memref<800000xf32, #tpu.memory_space<vmem_shared>> -> memref<2000xf32, #tpu.memory_space<vmem_shared>>
            %dma_start3A_88 = tpu.memref_slice %arg19[%add3A] : memref<800000xf32, #tpu.memory_space<vmem_shared>> -> memref<2000xf32, #tpu.memory_space<vmem_shared>>
            tpu.enqueue_dma source(%arg24 : memref<2000xf32, #tpu.memory_space<vmem>>) target(%dma_start3A_88 : memref<2000xf32, #tpu.memory_space<vmem_shared>>) target_semaphore(%run_scoped3A : memref<!tpu.dma_semaphore, #tpu.memory_space<semaphore_mem>>)
            %dma_wait3A = tpu.memref_slice %arg19[%add3A] : memref<800000xf32, #tpu.memory_space<vmem_shared>> -> memref<2000xf32, #tpu.memory_space<vmem_shared>>
            %dma_wait3A_89 = tpu.memref_slice %arg19[%add3A] : memref<800000xf32, #tpu.memory_space<vmem_shared>> -> memref<2000xf32, #tpu.memory_space<vmem_shared>>
            tpu.wait_dma2 semaphore(%run_scoped3A : memref<!tpu.dma_semaphore, #tpu.memory_space<semaphore_mem>>) src(%arg24 : memref<2000xf32, #tpu.memory_space<vmem>>) dst(%dma_wait3A_89 : memref<2000xf32, #tpu.memory_space<vmem_shared>>)
            tpu.yield
          }) : () -> ()
          %eq3A = arith.constant 2 : i32
          %eq3A_85 = arith.cmpi eq, %scan3A_55, %eq3A : i32
          %convert_element_type3A = arith.extui %eq3A_85 : i1 to i32
          %cond3A = arith.constant 0 : i32
          %cond3A_86 = arith.cmpi ne, %convert_element_type3A, %cond3A : i32
          scf.if %cond3A_86 {
            "tpu.region"() ({
              %run_scoped3A = tpu.sem_alloc : memref<!tpu.dma_semaphore, #tpu.memory_space<semaphore_mem>>
              %dma_start3A = tpu.memref_slice %arg16[%add3A] : memref<800000xf32, #tpu.memory_space<hbm>> -> memref<2000xf32, #tpu.memory_space<hbm>>
              %dma_start3A_88 = tpu.memref_slice %arg16[%add3A] : memref<800000xf32, #tpu.memory_space<hbm>> -> memref<2000xf32, #tpu.memory_space<hbm>>
              tpu.enqueue_dma source(%arg26 : memref<2000xf32, #tpu.memory_space<vmem>>) target(%dma_start3A_88 : memref<2000xf32, #tpu.memory_space<hbm>>) target_semaphore(%run_scoped3A : memref<!tpu.dma_semaphore, #tpu.memory_space<semaphore_mem>>)
              %dma_wait3A = tpu.memref_slice %arg16[%add3A] : memref<800000xf32, #tpu.memory_space<hbm>> -> memref<2000xf32, #tpu.memory_space<hbm>>
              %dma_wait3A_89 = tpu.memref_slice %arg16[%add3A] : memref<800000xf32, #tpu.memory_space<hbm>> -> memref<2000xf32, #tpu.memory_space<hbm>>
              tpu.wait_dma2 semaphore(%run_scoped3A : memref<!tpu.dma_semaphore, #tpu.memory_space<semaphore_mem>>) src(%arg26 : memref<2000xf32, #tpu.memory_space<vmem>>) dst(%dma_wait3A_89 : memref<2000xf32, #tpu.memory_space<hbm>>)
              tpu.yield
            }) : () -> ()
            "tpu.region"() ({
              %run_scoped3A = tpu.sem_alloc : memref<!tpu.dma_semaphore, #tpu.memory_space<semaphore_mem>>
              %dma_start3A = tpu.memref_slice %arg15[%add3A] : memref<800000xf32, #tpu.memory_space<hbm>> -> memref<2000xf32, #tpu.memory_space<hbm>>
              %dma_start3A_88 = tpu.memref_slice %arg15[%add3A] : memref<800000xf32, #tpu.memory_space<hbm>> -> memref<2000xf32, #tpu.memory_space<hbm>>
              tpu.enqueue_dma source(%arg25 : memref<2000xf32, #tpu.memory_space<vmem>>) target(%dma_start3A_88 : memref<2000xf32, #tpu.memory_space<hbm>>) target_semaphore(%run_scoped3A : memref<!tpu.dma_semaphore, #tpu.memory_space<semaphore_mem>>)
              %dma_wait3A = tpu.memref_slice %arg15[%add3A] : memref<800000xf32, #tpu.memory_space<hbm>> -> memref<2000xf32, #tpu.memory_space<hbm>>
              %dma_wait3A_89 = tpu.memref_slice %arg15[%add3A] : memref<800000xf32, #tpu.memory_space<hbm>> -> memref<2000xf32, #tpu.memory_space<hbm>>
              tpu.wait_dma2 semaphore(%run_scoped3A : memref<!tpu.dma_semaphore, #tpu.memory_space<semaphore_mem>>) src(%arg25 : memref<2000xf32, #tpu.memory_space<vmem>>) dst(%dma_wait3A_89 : memref<2000xf32, #tpu.memory_space<hbm>>)
              tpu.yield
            }) : () -> ()
          } else {
          }
          %scan3A_87 = arith.constant 0 : i32
          scf.yield %scan3A_87 : i32
        }
        %scan3A_71 = arith.constant 25 : i32
        %barrier3A_72 = arith.constant 0 : index
        tpu.barrier barrier_id(%barrier3A_72)
        %scan3A_73 = arith.constant 0 : i32
        scf.yield %scan3A_73 : i32
      }
      %scan3A_29 = arith.constant 3 : i32
      %scan3A_30 = arith.constant 0 : i32
      %scan3A_31 = arith.constant 0 : i32
      %scan3A_32 = arith.constant 25 : i32
      %scan3A_33 = arith.addi %scan3A_31, %scan3A_32 : i32
      %scan3A_34 = arith.constant 1 : i32
      %scan3A_35 = scf.for %scan3A_55 = %scan3A_31 to %scan3A_33 step %scan3A_34 iter_args(%scan3A_56 = %scan3A_30) -> (i32)  : i32 {
        %mul3A_57 = arith.constant 2000 : i32
        %mul3A_58 = arith.muli %scan3A_55, %mul3A_57 : i32
        %add3A = arith.addi %mul3A_0, %mul3A_58 : i32
        "tpu.region"() ({
          %run_scoped3A = tpu.sem_alloc : memref<!tpu.dma_semaphore, #tpu.memory_space<semaphore_mem>>
          %dma_start3A = tpu.memref_slice %arg18[%add3A] : memref<800000xf32, #tpu.memory_space<vmem_shared>> -> memref<2000xf32, #tpu.memory_space<vmem_shared>>
          %dma_start3A_67 = tpu.memref_slice %arg18[%add3A] : memref<800000xf32, #tpu.memory_space<vmem_shared>> -> memref<2000xf32, #tpu.memory_space<vmem_shared>>
          tpu.enqueue_dma source(%dma_start3A_67 : memref<2000xf32, #tpu.memory_space<vmem_shared>>) target(%arg24 : memref<2000xf32, #tpu.memory_space<vmem>>) target_semaphore(%run_scoped3A : memref<!tpu.dma_semaphore, #tpu.memory_space<semaphore_mem>>)
          %dma_wait3A = tpu.memref_slice %arg18[%add3A] : memref<800000xf32, #tpu.memory_space<vmem_shared>> -> memref<2000xf32, #tpu.memory_space<vmem_shared>>
          %dma_wait3A_68 = tpu.memref_slice %arg18[%add3A] : memref<800000xf32, #tpu.memory_space<vmem_shared>> -> memref<2000xf32, #tpu.memory_space<vmem_shared>>
          tpu.wait_dma2 semaphore(%run_scoped3A : memref<!tpu.dma_semaphore, #tpu.memory_space<semaphore_mem>>) src(%dma_wait3A_68 : memref<2000xf32, #tpu.memory_space<vmem_shared>>) dst(%arg24 : memref<2000xf32, #tpu.memory_space<vmem>>)
          tpu.yield
        }) : () -> ()
        "tpu.region"() ({
          %run_scoped3A = tpu.sem_alloc : memref<!tpu.dma_semaphore, #tpu.memory_space<semaphore_mem>>
          %dma_start3A = tpu.memref_slice %arg11[%add3A] : memref<800000xf32, #tpu.memory_space<hbm>> -> memref<2000xf32, #tpu.memory_space<hbm>>
          %dma_start3A_67 = tpu.memref_slice %arg11[%add3A] : memref<800000xf32, #tpu.memory_space<hbm>> -> memref<2000xf32, #tpu.memory_space<hbm>>
          tpu.enqueue_dma source(%dma_start3A_67 : memref<2000xf32, #tpu.memory_space<hbm>>) target(%arg25 : memref<2000xf32, #tpu.memory_space<vmem>>) target_semaphore(%run_scoped3A : memref<!tpu.dma_semaphore, #tpu.memory_space<semaphore_mem>>)
          %dma_wait3A = tpu.memref_slice %arg11[%add3A] : memref<800000xf32, #tpu.memory_space<hbm>> -> memref<2000xf32, #tpu.memory_space<hbm>>
          %dma_wait3A_68 = tpu.memref_slice %arg11[%add3A] : memref<800000xf32, #tpu.memory_space<hbm>> -> memref<2000xf32, #tpu.memory_space<hbm>>
          tpu.wait_dma2 semaphore(%run_scoped3A : memref<!tpu.dma_semaphore, #tpu.memory_space<semaphore_mem>>) src(%dma_wait3A_68 : memref<2000xf32, #tpu.memory_space<hbm>>) dst(%arg25 : memref<2000xf32, #tpu.memory_space<vmem>>)
          tpu.yield
        }) : () -> ()
        "tpu.region"() ({
          %run_scoped3A = tpu.sem_alloc : memref<!tpu.dma_semaphore, #tpu.memory_space<semaphore_mem>>
          %dma_start3A = tpu.memref_slice %arg17[%add3A] : memref<800000xf32, #tpu.memory_space<hbm>> -> memref<2000xf32, #tpu.memory_space<hbm>>
          %dma_start3A_67 = tpu.memref_slice %arg17[%add3A] : memref<800000xf32, #tpu.memory_space<hbm>> -> memref<2000xf32, #tpu.memory_space<hbm>>
          tpu.enqueue_dma source(%dma_start3A_67 : memref<2000xf32, #tpu.memory_space<hbm>>) target(%arg26 : memref<2000xf32, #tpu.memory_space<vmem>>) target_semaphore(%run_scoped3A : memref<!tpu.dma_semaphore, #tpu.memory_space<semaphore_mem>>)
          %dma_wait3A = tpu.memref_slice %arg17[%add3A] : memref<800000xf32, #tpu.memory_space<hbm>> -> memref<2000xf32, #tpu.memory_space<hbm>>
          %dma_wait3A_68 = tpu.memref_slice %arg17[%add3A] : memref<800000xf32, #tpu.memory_space<hbm>> -> memref<2000xf32, #tpu.memory_space<hbm>>
          tpu.wait_dma2 semaphore(%run_scoped3A : memref<!tpu.dma_semaphore, #tpu.memory_space<semaphore_mem>>) src(%dma_wait3A_68 : memref<2000xf32, #tpu.memory_space<hbm>>) dst(%arg26 : memref<2000xf32, #tpu.memory_space<vmem>>)
          tpu.yield
        }) : () -> ()
        %scan3A_59 = arith.constant 0 : i32
        %scan3A_60 = arith.constant 0 : i32
        %scan3A_61 = arith.constant 125 : i32
        %scan3A_62 = arith.addi %scan3A_60, %scan3A_61 : i32
        %scan3A_63 = arith.constant 1 : i32
        %scan3A_64 = scf.for %scan3A_67 = %scan3A_60 to %scan3A_62 step %scan3A_63 iter_args(%scan3A_68 = %scan3A_59) -> (i32)  : i32 {
          %mul3A_69 = arith.constant 16 : i32
          %mul3A_70 = arith.muli %scan3A_67, %mul3A_69 : i32
          %get3A_71 = arith.index_cast %mul3A_70 : i32 to index
          %get3A_72 = tpu.vector_load %arg24[%get3A_71] {strides = array<i32>} : memref<2000xf32, #tpu.memory_space<vmem>>, vector<16xf32>,
          %get3A_73 = vector.shape_cast %get3A_72 : vector<16xf32> to vector<16xf32>
          %get3A_74 = arith.index_cast %mul3A_70 : i32 to index
          %get3A_75 = tpu.vector_load %arg25[%get3A_74] {strides = array<i32>} : memref<2000xf32, #tpu.memory_space<vmem>>, vector<16xf32>,
          %get3A_76 = vector.shape_cast %get3A_75 : vector<16xf32> to vector<16xf32>
          %abs3A = math.absf %get3A_73 : vector<16xf32>
          %bitcast_convert_type3A = tpu.bitcast %abs3A : vector<16xf32> -> vector<16xi32>
          %shift_right_logical3A = arith.constant 23 : i32
          %shift_right_logical3A_77 = vector.broadcast %shift_right_logical3A : i32 to vector<16xi32>
          %shift_right_logical3A_78 = arith.shrui %bitcast_convert_type3A, %shift_right_logical3A_77 : vector<16xi32>
          %sub3A = arith.constant 127 : i32
          %sub3A_79 = vector.broadcast %sub3A : i32 to vector<16xi32>
          %sub3A_80 = arith.subi %shift_right_logical3A_78, %sub3A_79 : vector<16xi32>
          %and3A = arith.constant 8388607 : i32
          %and3A_81 = vector.broadcast %and3A : i32 to vector<16xi32>
          %and3A_82 = arith.andi %bitcast_convert_type3A, %and3A_81 : vector<16xi32>
          %or3A = arith.constant 1065353216 : i32
          %or3A_83 = vector.broadcast %or3A : i32 to vector<16xi32>
          %or3A_84 = arith.ori %and3A_82, %or3A_83 : vector<16xi32>
          %bitcast_convert_type3A_85 = tpu.bitcast %or3A_84 : vector<16xi32> -> vector<16xf32>
          %sub3A_86 = arith.constant 1.000000e+00 : f32
          %sub3A_87 = vector.broadcast %sub3A_86 : f32 to vector<16xf32>
          %sub3A_88 = arith.subf %bitcast_convert_type3A_85, %sub3A_87 : vector<16xf32>
          %add3A_89 = arith.constant 1.000000e+00 : f32
          %add3A_90 = vector.broadcast %add3A_89 : f32 to vector<16xf32>
          %add3A_91 = arith.addf %bitcast_convert_type3A_85, %add3A_90 : vector<16xf32>
          %div3A = arith.divf %sub3A_88, %add3A_91 : vector<16xf32>
          %mul3A_92 = arith.mulf %div3A, %div3A : vector<16xf32>
          %mul3A_93 = arith.constant 0.412198573 : f32
          %mul3A_94 = vector.broadcast %mul3A_93 : f32 to vector<16xf32>
          %mul3A_95 = arith.mulf %mul3A_92, %mul3A_94 : vector<16xf32>
          %add3A_96 = arith.constant 0.577078044 : f32
          %add3A_97 = vector.broadcast %add3A_96 : f32 to vector<16xf32>
          %add3A_98 = arith.addf %add3A_97, %mul3A_95 : vector<16xf32>
          %mul3A_99 = arith.mulf %mul3A_92, %add3A_98 : vector<16xf32>
          %add3A_100 = arith.constant 0.9617967 : f32
          %add3A_101 = vector.broadcast %add3A_100 : f32 to vector<16xf32>
          %add3A_102 = arith.addf %add3A_101, %mul3A_99 : vector<16xf32>
          %mul3A_103 = arith.mulf %mul3A_92, %add3A_102 : vector<16xf32>
          %add3A_104 = arith.constant 2.885390e+00 : f32
          %add3A_105 = vector.broadcast %add3A_104 : f32 to vector<16xf32>
          %add3A_106 = arith.addf %add3A_105, %mul3A_103 : vector<16xf32>
          %mul3A_107 = arith.mulf %div3A, %add3A_106 : vector<16xf32>
          %convert_element_type3A = arith.sitofp %sub3A_80 : vector<16xi32> to vector<16xf32>
          %add3A_108 = arith.addf %convert_element_type3A, %mul3A_107 : vector<16xf32>
          %mul3A_109 = arith.constant 1.28370857 : f32
          %mul3A_110 = vector.broadcast %mul3A_109 : f32 to vector<16xf32>
          %mul3A_111 = arith.mulf %add3A_108, %mul3A_110 : vector<16xf32>
          %exp3A = math.exp %mul3A_111 : vector<16xf32>
          %mul3A_112 = arith.mulf %get3A_76, %exp3A : vector<16xf32>
          %sign3A = tpu.bitcast %get3A_73 : vector<16xf32> -> vector<16xi32>
          %sign3A_113 = arith.constant -2147483648 : i32
          %sign3A_114 = vector.broadcast %sign3A_113 : i32 to vector<16xi32>
          %sign3A_115 = arith.andi %sign3A, %sign3A_114 : vector<16xi32>
          %sign3A_116 = arith.constant 1065353216 : i32
          %sign3A_117 = vector.broadcast %sign3A_116 : i32 to vector<16xi32>
          %sign3A_118 = arith.ori %sign3A_117, %sign3A_115 : vector<16xi32>
          %sign3A_119 = tpu.bitcast %sign3A_118 : vector<16xi32> -> vector<16xf32>
          %sign3A_120 = math.absf %get3A_73 : vector<16xf32>
          %sign3A_121 = arith.constant 0.000000e+00 : f32
          %sign3A_122 = vector.broadcast %sign3A_121 : f32 to vector<16xf32>
          %sign3A_123 = arith.cmpf ogt, %sign3A_120, %sign3A_122 : vector<16xf32>
          %sign3A_124 = arith.select %sign3A_123, %sign3A_119, %get3A_73 : vector<16xi1>, vector<16xf32>
          %mul3A_125 = arith.mulf %mul3A_112, %sign3A_124 : vector<16xf32>
          %swap3A = arith.index_cast %mul3A_70 : i32 to index
          %swap3A_126 = tpu.vector_load %arg24[%swap3A] {strides = array<i32>} : memref<2000xf32, #tpu.memory_space<vmem>>, vector<16xf32>,
          %swap3A_127 = vector.shape_cast %swap3A_126 : vector<16xf32> to vector<16xf32>
          %swap3A_128 = vector.shape_cast %mul3A_125 : vector<16xf32> to vector<16xf32>
          tpu.vector_store %arg24[%swap3A], %swap3A_128 {strides = array<i32>} : memref<2000xf32, #tpu.memory_space<vmem>>, vector<16xf32>,
          %get3A_129 = arith.index_cast %mul3A_70 : i32 to index
          %get3A_130 = tpu.vector_load %arg26[%get3A_129] {strides = array<i32>} : memref<2000xf32, #tpu.memory_space<vmem>>, vector<16xf32>,
          %get3A_131 = vector.shape_cast %get3A_130 : vector<16xf32> to vector<16xf32>
          %mul3A_132 = arith.mulf %get3A_13, %get3A_131 : vector<16xf32>
          %add3A_133 = arith.addf %mul3A_125, %mul3A_132 : vector<16xf32>
          %swap3A_134 = arith.index_cast %mul3A_70 : i32 to index
          %swap3A_135 = tpu.vector_load %arg26[%swap3A_134] {strides = array<i32>} : memref<2000xf32, #tpu.memory_space<vmem>>, vector<16xf32>,
          %swap3A_136 = vector.shape_cast %swap3A_135 : vector<16xf32> to vector<16xf32>
          %swap3A_137 = vector.shape_cast %add3A_133 : vector<16xf32> to vector<16xf32>
          tpu.vector_store %arg26[%swap3A_134], %swap3A_137 {strides = array<i32>} : memref<2000xf32, #tpu.memory_space<vmem>>, vector<16xf32>,
          %scan3A_138 = arith.constant 0 : i32
          scf.yield %scan3A_138 : i32
        }
        %scan3A_65 = arith.constant 125 : i32
        "tpu.region"() ({
          %run_scoped3A = tpu.sem_alloc : memref<!tpu.dma_semaphore, #tpu.memory_space<semaphore_mem>>
          %dma_start3A = tpu.memref_slice %arg19[%add3A] : memref<800000xf32, #tpu.memory_space<vmem_shared>> -> memref<2000xf32, #tpu.memory_space<vmem_shared>>
          %dma_start3A_67 = tpu.memref_slice %arg19[%add3A] : memref<800000xf32, #tpu.memory_space<vmem_shared>> -> memref<2000xf32, #tpu.memory_space<vmem_shared>>
          tpu.enqueue_dma source(%arg24 : memref<2000xf32, #tpu.memory_space<vmem>>) target(%dma_start3A_67 : memref<2000xf32, #tpu.memory_space<vmem_shared>>) target_semaphore(%run_scoped3A : memref<!tpu.dma_semaphore, #tpu.memory_space<semaphore_mem>>)
          %dma_wait3A = tpu.memref_slice %arg19[%add3A] : memref<800000xf32, #tpu.memory_space<vmem_shared>> -> memref<2000xf32, #tpu.memory_space<vmem_shared>>
          %dma_wait3A_68 = tpu.memref_slice %arg19[%add3A] : memref<800000xf32, #tpu.memory_space<vmem_shared>> -> memref<2000xf32, #tpu.memory_space<vmem_shared>>
          tpu.wait_dma2 semaphore(%run_scoped3A : memref<!tpu.dma_semaphore, #tpu.memory_space<semaphore_mem>>) src(%arg24 : memref<2000xf32, #tpu.memory_space<vmem>>) dst(%dma_wait3A_68 : memref<2000xf32, #tpu.memory_space<vmem_shared>>)
          tpu.yield
        }) : () -> ()
        "tpu.region"() ({
          %run_scoped3A = tpu.sem_alloc : memref<!tpu.dma_semaphore, #tpu.memory_space<semaphore_mem>>
          %dma_start3A = tpu.memref_slice %arg18[%add3A] : memref<800000xf32, #tpu.memory_space<vmem_shared>> -> memref<2000xf32, #tpu.memory_space<vmem_shared>>
          %dma_start3A_67 = tpu.memref_slice %arg18[%add3A] : memref<800000xf32, #tpu.memory_space<vmem_shared>> -> memref<2000xf32, #tpu.memory_space<vmem_shared>>
          tpu.enqueue_dma source(%arg26 : memref<2000xf32, #tpu.memory_space<vmem>>) target(%dma_start3A_67 : memref<2000xf32, #tpu.memory_space<vmem_shared>>) target_semaphore(%run_scoped3A : memref<!tpu.dma_semaphore, #tpu.memory_space<semaphore_mem>>)
          %dma_wait3A = tpu.memref_slice %arg18[%add3A] : memref<800000xf32, #tpu.memory_space<vmem_shared>> -> memref<2000xf32, #tpu.memory_space<vmem_shared>>
          %dma_wait3A_68 = tpu.memref_slice %arg18[%add3A] : memref<800000xf32, #tpu.memory_space<vmem_shared>> -> memref<2000xf32, #tpu.memory_space<vmem_shared>>
          tpu.wait_dma2 semaphore(%run_scoped3A : memref<!tpu.dma_semaphore, #tpu.memory_space<semaphore_mem>>) src(%arg26 : memref<2000xf32, #tpu.memory_space<vmem>>) dst(%dma_wait3A_68 : memref<2000xf32, #tpu.memory_space<vmem_shared>>)
          tpu.yield
        }) : () -> ()
        %scan3A_66 = arith.constant 0 : i32
        scf.yield %scan3A_66 : i32
      }
      %scan3A_36 = arith.constant 25 : i32
      %barrier3A_37 = arith.constant 0 : index
      tpu.barrier barrier_id(%barrier3A_37)
      %scan3A_38 = arith.constant 0 : i32
      %scan3A_39 = arith.constant 0 : i32
      %scan3A_40 = arith.constant 98 : i32
      %scan3A_41 = arith.addi %scan3A_39, %scan3A_40 : i32
      %scan3A_42 = arith.constant 1 : i32
      %scan3A_43 = scf.for %scan3A_55 = %scan3A_39 to %scan3A_41 step %scan3A_42 iter_args(%scan3A_56 = %scan3A_38) -> (i32)  : i32 {
        %mul3A_57 = arith.constant 2048 : i32
        %mul3A_58 = arith.muli %scan3A_55, %mul3A_57 : i32
        %add3A = arith.addi %mul3A_2, %mul3A_58 : i32
        "tpu.region"() ({
          %run_scoped3A = tpu.sem_alloc : memref<!tpu.dma_semaphore, #tpu.memory_space<semaphore_mem>>
          %dma_start3A_69 = tpu.memref_slice %arg6[%add3A] : memref<3211264xi32, #tpu.memory_space<hbm>> -> memref<2048xi32, #tpu.memory_space<hbm>>
          %dma_start3A_70 = tpu.memref_slice %arg6[%add3A] : memref<3211264xi32, #tpu.memory_space<hbm>> -> memref<2048xi32, #tpu.memory_space<hbm>>
          tpu.enqueue_dma source(%dma_start3A_70 : memref<2048xi32, #tpu.memory_space<hbm>>) target(%arg21 : memref<2048xi32, #tpu.memory_space<vmem>>) target_semaphore(%run_scoped3A : memref<!tpu.dma_semaphore, #tpu.memory_space<semaphore_mem>>)
          %dma_wait3A_71 = tpu.memref_slice %arg6[%add3A] : memref<3211264xi32, #tpu.memory_space<hbm>> -> memref<2048xi32, #tpu.memory_space<hbm>>
          %dma_wait3A_72 = tpu.memref_slice %arg6[%add3A] : memref<3211264xi32, #tpu.memory_space<hbm>> -> memref<2048xi32, #tpu.memory_space<hbm>>
          tpu.wait_dma2 semaphore(%run_scoped3A : memref<!tpu.dma_semaphore, #tpu.memory_space<semaphore_mem>>) src(%dma_wait3A_72 : memref<2048xi32, #tpu.memory_space<hbm>>) dst(%arg21 : memref<2048xi32, #tpu.memory_space<vmem>>)
          tpu.yield
        }) : () -> ()
        "tpu.region"() ({
          %run_scoped3A = tpu.sem_alloc : memref<!tpu.dma_semaphore, #tpu.memory_space<semaphore_mem>>
          %dma_start3A_69 = tpu.memref_slice %arg7[%add3A] : memref<3211264xf32, #tpu.memory_space<hbm>> -> memref<2048xf32, #tpu.memory_space<hbm>>
          %dma_start3A_70 = tpu.memref_slice %arg7[%add3A] : memref<3211264xf32, #tpu.memory_space<hbm>> -> memref<2048xf32, #tpu.memory_space<hbm>>
          tpu.enqueue_dma source(%dma_start3A_70 : memref<2048xf32, #tpu.memory_space<hbm>>) target(%arg22 : memref<2048xf32, #tpu.memory_space<vmem>>) target_semaphore(%run_scoped3A : memref<!tpu.dma_semaphore, #tpu.memory_space<semaphore_mem>>)
          %dma_wait3A_71 = tpu.memref_slice %arg7[%add3A] : memref<3211264xf32, #tpu.memory_space<hbm>> -> memref<2048xf32, #tpu.memory_space<hbm>>
          %dma_wait3A_72 = tpu.memref_slice %arg7[%add3A] : memref<3211264xf32, #tpu.memory_space<hbm>> -> memref<2048xf32, #tpu.memory_space<hbm>>
          tpu.wait_dma2 semaphore(%run_scoped3A : memref<!tpu.dma_semaphore, #tpu.memory_space<semaphore_mem>>) src(%dma_wait3A_72 : memref<2048xf32, #tpu.memory_space<hbm>>) dst(%arg22 : memref<2048xf32, #tpu.memory_space<vmem>>)
          tpu.yield
        }) : () -> ()
        "tpu.region"() ({
          %run_scoped3A = tpu.sem_alloc : memref<!tpu.dma_semaphore, #tpu.memory_space<semaphore_mem>>
          %dma_start3A_69 = tpu.memref_slice %arg5[%add3A] : memref<3211264xi32, #tpu.memory_space<hbm>> -> memref<2048xi32, #tpu.memory_space<hbm>>
          %dma_start3A_70 = tpu.memref_slice %arg5[%add3A] : memref<3211264xi32, #tpu.memory_space<hbm>> -> memref<2048xi32, #tpu.memory_space<hbm>>
          tpu.enqueue_dma source(%dma_start3A_70 : memref<2048xi32, #tpu.memory_space<hbm>>) target(%arg20 : memref<2048xi32, #tpu.memory_space<vmem>>) target_semaphore(%run_scoped3A : memref<!tpu.dma_semaphore, #tpu.memory_space<semaphore_mem>>)
          %dma_wait3A_71 = tpu.memref_slice %arg5[%add3A] : memref<3211264xi32, #tpu.memory_space<hbm>> -> memref<2048xi32, #tpu.memory_space<hbm>>
          %dma_wait3A_72 = tpu.memref_slice %arg5[%add3A] : memref<3211264xi32, #tpu.memory_space<hbm>> -> memref<2048xi32, #tpu.memory_space<hbm>>
          tpu.wait_dma2 semaphore(%run_scoped3A : memref<!tpu.dma_semaphore, #tpu.memory_space<semaphore_mem>>) src(%dma_wait3A_72 : memref<2048xi32, #tpu.memory_space<hbm>>) dst(%arg20 : memref<2048xi32, #tpu.memory_space<vmem>>)
          tpu.yield
        }) : () -> ()
        %dma_start3A = arith.constant 0 : i32
        %dma_start3A_59 = tpu.memref_slice %arg19[%dma_start3A] : memref<800000xf32, #tpu.memory_space<vmem_shared>> -> memref<800000xf32, #tpu.memory_space<vmem_shared>>
        tpu.enqueue_indirect_dma source(%dma_start3A_59 : memref<800000xf32, #tpu.memory_space<vmem_shared>>) target(%arg23 : memref<2048xf32, #tpu.memory_space<vmem>>) offsets(%arg21 : memref<2048xi32, #tpu.memory_space<vmem>>) semaphore(%arg31 : memref<!tpu.dma_semaphore, #tpu.memory_space<semaphore_mem>>)
        %dma_wait3A = arith.constant 0 : i32
        %dma_wait3A_60 = tpu.memref_slice %arg19[%dma_wait3A] : memref<800000xf32, #tpu.memory_space<vmem_shared>> -> memref<800000xf32, #tpu.memory_space<vmem_shared>>
        tpu.wait_indirect_dma semaphore(%arg31 : memref<!tpu.dma_semaphore, #tpu.memory_space<semaphore_mem>>) src(%dma_wait3A_60 : memref<800000xf32, #tpu.memory_space<vmem_shared>>) dst(%arg23 : memref<2048xf32, #tpu.memory_space<vmem>>)
        %scan3A_61 = arith.constant 0 : i32
        %scan3A_62 = arith.constant 0 : i32
        %scan3A_63 = arith.constant 128 : i32
        %scan3A_64 = arith.addi %scan3A_62, %scan3A_63 : i32
        %scan3A_65 = arith.constant 1 : i32
        %scan3A_66 = scf.for %scan3A_69 = %scan3A_62 to %scan3A_64 step %scan3A_65 iter_args(%scan3A_70 = %scan3A_61) -> (i32)  : i32 {
          %mul3A_71 = arith.constant 16 : i32
          %mul3A_72 = arith.muli %scan3A_69, %mul3A_71 : i32
          %get3A_73 = arith.index_cast %mul3A_72 : i32 to index
          %get3A_74 = tpu.vector_load %arg23[%get3A_73] {strides = array<i32>} : memref<2048xf32, #tpu.memory_space<vmem>>, vector<16xf32>,
          %get3A_75 = vector.shape_cast %get3A_74 : vector<16xf32> to vector<16xf32>
          %get3A_76 = arith.index_cast %mul3A_72 : i32 to index
          %get3A_77 = tpu.vector_load %arg22[%get3A_76] {strides = array<i32>} : memref<2048xf32, #tpu.memory_space<vmem>>, vector<16xf32>,
          %get3A_78 = vector.shape_cast %get3A_77 : vector<16xf32> to vector<16xf32>
          %mul3A_79 = arith.mulf %get3A_75, %get3A_78 : vector<16xf32>
          %swap3A = arith.index_cast %mul3A_72 : i32 to index
          %swap3A_80 = tpu.vector_load %arg23[%swap3A] {strides = array<i32>} : memref<2048xf32, #tpu.memory_space<vmem>>, vector<16xf32>,
          %swap3A_81 = vector.shape_cast %swap3A_80 : vector<16xf32> to vector<16xf32>
          %swap3A_82 = vector.shape_cast %mul3A_79 : vector<16xf32> to vector<16xf32>
          tpu.vector_store %arg23[%swap3A], %swap3A_82 {strides = array<i32>} : memref<2048xf32, #tpu.memory_space<vmem>>, vector<16xf32>,
          %scan3A_83 = arith.constant 0 : i32
          scf.yield %scan3A_83 : i32
        }
        %scan3A_67 = arith.constant 128 : i32
        "tpu.region"() ({
          %run_scoped3A = tpu.sem_alloc : memref<!tpu.dma_semaphore, #tpu.memory_space<semaphore_mem>>
          %dma_start3A_69 = arith.constant 0 : i32
          %dma_start3A_70 = tpu.memref_slice %arg18[%dma_start3A_69] : memref<800000xf32, #tpu.memory_space<vmem_shared>> -> memref<800000xf32, #tpu.memory_space<vmem_shared>>
          tpu.enqueue_indirect_dma source(%arg23 : memref<2048xf32, #tpu.memory_space<vmem>>) target(%dma_start3A_70 : memref<800000xf32, #tpu.memory_space<vmem_shared>>) offsets(%arg20 : memref<2048xi32, #tpu.memory_space<vmem>>) semaphore(%run_scoped3A : memref<!tpu.dma_semaphore, #tpu.memory_space<semaphore_mem>>) {add = true}
          %dma_wait3A_71 = arith.constant 0 : i32
          %dma_wait3A_72 = tpu.memref_slice %arg18[%dma_wait3A_71] : memref<800000xf32, #tpu.memory_space<vmem_shared>> -> memref<800000xf32, #tpu.memory_space<vmem_shared>>
          tpu.wait_indirect_dma semaphore(%run_scoped3A : memref<!tpu.dma_semaphore, #tpu.memory_space<semaphore_mem>>) src(%arg23 : memref<2048xf32, #tpu.memory_space<vmem>>) dst(%dma_wait3A_72 : memref<800000xf32, #tpu.memory_space<vmem_shared>>)
          tpu.yield
        }) : () -> ()
        %scan3A_68 = arith.constant 0 : i32
        scf.yield %scan3A_68 : i32
      }
      %scan3A_44 = arith.constant 98 : i32
      %barrier3A_45 = arith.constant 0 : index
      tpu.barrier barrier_id(%barrier3A_45)
      %scan3A_46 = arith.constant 0 : i32
      %scan3A_47 = arith.constant 0 : i32
      %scan3A_48 = arith.constant 25 : i32
      %scan3A_49 = arith.addi %scan3A_47, %scan3A_48 : i32
      %scan3A_50 = arith.constant 1 : i32
      %scan3A_51 = scf.for %scan3A_55 = %scan3A_47 to %scan3A_49 step %scan3A_50 iter_args(%scan3A_56 = %scan3A_46) -> (i32)  : i32 {
        %mul3A_57 = arith.constant 2000 : i32
        %mul3A_58 = arith.muli %scan3A_55, %mul3A_57 : i32
        %add3A = arith.addi %mul3A_0, %mul3A_58 : i32
        "tpu.region"() ({
          %run_scoped3A = tpu.sem_alloc : memref<!tpu.dma_semaphore, #tpu.memory_space<semaphore_mem>>
          %dma_start3A = tpu.memref_slice %arg18[%add3A] : memref<800000xf32, #tpu.memory_space<vmem_shared>> -> memref<2000xf32, #tpu.memory_space<vmem_shared>>
          %dma_start3A_74 = tpu.memref_slice %arg18[%add3A] : memref<800000xf32, #tpu.memory_space<vmem_shared>> -> memref<2000xf32, #tpu.memory_space<vmem_shared>>
          tpu.enqueue_dma source(%dma_start3A_74 : memref<2000xf32, #tpu.memory_space<vmem_shared>>) target(%arg24 : memref<2000xf32, #tpu.memory_space<vmem>>) target_semaphore(%run_scoped3A : memref<!tpu.dma_semaphore, #tpu.memory_space<semaphore_mem>>)
          %dma_wait3A = tpu.memref_slice %arg18[%add3A] : memref<800000xf32, #tpu.memory_space<vmem_shared>> -> memref<2000xf32, #tpu.memory_space<vmem_shared>>
          %dma_wait3A_75 = tpu.memref_slice %arg18[%add3A] : memref<800000xf32, #tpu.memory_space<vmem_shared>> -> memref<2000xf32, #tpu.memory_space<vmem_shared>>
          tpu.wait_dma2 semaphore(%run_scoped3A : memref<!tpu.dma_semaphore, #tpu.memory_space<semaphore_mem>>) src(%dma_wait3A_75 : memref<2000xf32, #tpu.memory_space<vmem_shared>>) dst(%arg24 : memref<2000xf32, #tpu.memory_space<vmem>>)
          tpu.yield
        }) : () -> ()
        "tpu.region"() ({
          %run_scoped3A = tpu.sem_alloc : memref<!tpu.dma_semaphore, #tpu.memory_space<semaphore_mem>>
          %dma_start3A = tpu.memref_slice %arg19[%add3A] : memref<800000xf32, #tpu.memory_space<vmem_shared>> -> memref<2000xf32, #tpu.memory_space<vmem_shared>>
          %dma_start3A_74 = tpu.memref_slice %arg19[%add3A] : memref<800000xf32, #tpu.memory_space<vmem_shared>> -> memref<2000xf32, #tpu.memory_space<vmem_shared>>
          tpu.enqueue_dma source(%dma_start3A_74 : memref<2000xf32, #tpu.memory_space<vmem_shared>>) target(%arg25 : memref<2000xf32, #tpu.memory_space<vmem>>) target_semaphore(%run_scoped3A : memref<!tpu.dma_semaphore, #tpu.memory_space<semaphore_mem>>)
          %dma_wait3A = tpu.memref_slice %arg19[%add3A] : memref<800000xf32, #tpu.memory_space<vmem_shared>> -> memref<2000xf32, #tpu.memory_space<vmem_shared>>
          %dma_wait3A_75 = tpu.memref_slice %arg19[%add3A] : memref<800000xf32, #tpu.memory_space<vmem_shared>> -> memref<2000xf32, #tpu.memory_space<vmem_shared>>
          tpu.wait_dma2 semaphore(%run_scoped3A : memref<!tpu.dma_semaphore, #tpu.memory_space<semaphore_mem>>) src(%dma_wait3A_75 : memref<2000xf32, #tpu.memory_space<vmem_shared>>) dst(%arg25 : memref<2000xf32, #tpu.memory_space<vmem>>)
          tpu.yield
        }) : () -> ()
        "tpu.region"() ({
          %run_scoped3A = tpu.sem_alloc : memref<!tpu.dma_semaphore, #tpu.memory_space<semaphore_mem>>
          %dma_start3A = tpu.memref_slice %arg17[%add3A] : memref<800000xf32, #tpu.memory_space<hbm>> -> memref<2000xf32, #tpu.memory_space<hbm>>
          %dma_start3A_74 = tpu.memref_slice %arg17[%add3A] : memref<800000xf32, #tpu.memory_space<hbm>> -> memref<2000xf32, #tpu.memory_space<hbm>>
          tpu.enqueue_dma source(%dma_start3A_74 : memref<2000xf32, #tpu.memory_space<hbm>>) target(%arg26 : memref<2000xf32, #tpu.memory_space<vmem>>) target_semaphore(%run_scoped3A : memref<!tpu.dma_semaphore, #tpu.memory_space<semaphore_mem>>)
          %dma_wait3A = tpu.memref_slice %arg17[%add3A] : memref<800000xf32, #tpu.memory_space<hbm>> -> memref<2000xf32, #tpu.memory_space<hbm>>
          %dma_wait3A_75 = tpu.memref_slice %arg17[%add3A] : memref<800000xf32, #tpu.memory_space<hbm>> -> memref<2000xf32, #tpu.memory_space<hbm>>
          tpu.wait_dma2 semaphore(%run_scoped3A : memref<!tpu.dma_semaphore, #tpu.memory_space<semaphore_mem>>) src(%dma_wait3A_75 : memref<2000xf32, #tpu.memory_space<hbm>>) dst(%arg26 : memref<2000xf32, #tpu.memory_space<vmem>>)
          tpu.yield
        }) : () -> ()
        "tpu.region"() ({
          %run_scoped3A = tpu.sem_alloc : memref<!tpu.dma_semaphore, #tpu.memory_space<semaphore_mem>>
          %dma_start3A = tpu.memref_slice %arg9[%add3A] : memref<800000xf32, #tpu.memory_space<hbm>> -> memref<2000xf32, #tpu.memory_space<hbm>>
          %dma_start3A_74 = tpu.memref_slice %arg9[%add3A] : memref<800000xf32, #tpu.memory_space<hbm>> -> memref<2000xf32, #tpu.memory_space<hbm>>
          tpu.enqueue_dma source(%dma_start3A_74 : memref<2000xf32, #tpu.memory_space<hbm>>) target(%arg27 : memref<2000xf32, #tpu.memory_space<vmem>>) target_semaphore(%run_scoped3A : memref<!tpu.dma_semaphore, #tpu.memory_space<semaphore_mem>>)
          %dma_wait3A = tpu.memref_slice %arg9[%add3A] : memref<800000xf32, #tpu.memory_space<hbm>> -> memref<2000xf32, #tpu.memory_space<hbm>>
          %dma_wait3A_75 = tpu.memref_slice %arg9[%add3A] : memref<800000xf32, #tpu.memory_space<hbm>> -> memref<2000xf32, #tpu.memory_space<hbm>>
          tpu.wait_dma2 semaphore(%run_scoped3A : memref<!tpu.dma_semaphore, #tpu.memory_space<semaphore_mem>>) src(%dma_wait3A_75 : memref<2000xf32, #tpu.memory_space<hbm>>) dst(%arg27 : memref<2000xf32, #tpu.memory_space<vmem>>)
          tpu.yield
        }) : () -> ()
        "tpu.region"() ({
          %run_scoped3A = tpu.sem_alloc : memref<!tpu.dma_semaphore, #tpu.memory_space<semaphore_mem>>
          %dma_start3A = tpu.memref_slice %arg11[%add3A] : memref<800000xf32, #tpu.memory_space<hbm>> -> memref<2000xf32, #tpu.memory_space<hbm>>
          %dma_start3A_74 = tpu.memref_slice %arg11[%add3A] : memref<800000xf32, #tpu.memory_space<hbm>> -> memref<2000xf32, #tpu.memory_space<hbm>>
          tpu.enqueue_dma source(%dma_start3A_74 : memref<2000xf32, #tpu.memory_space<hbm>>) target(%arg28 : memref<2000xf32, #tpu.memory_space<vmem>>) target_semaphore(%run_scoped3A : memref<!tpu.dma_semaphore, #tpu.memory_space<semaphore_mem>>)
          %dma_wait3A = tpu.memref_slice %arg11[%add3A] : memref<800000xf32, #tpu.memory_space<hbm>> -> memref<2000xf32, #tpu.memory_space<hbm>>
          %dma_wait3A_75 = tpu.memref_slice %arg11[%add3A] : memref<800000xf32, #tpu.memory_space<hbm>> -> memref<2000xf32, #tpu.memory_space<hbm>>
          tpu.wait_dma2 semaphore(%run_scoped3A : memref<!tpu.dma_semaphore, #tpu.memory_space<semaphore_mem>>) src(%dma_wait3A_75 : memref<2000xf32, #tpu.memory_space<hbm>>) dst(%arg28 : memref<2000xf32, #tpu.memory_space<vmem>>)
          tpu.yield
        }) : () -> ()
        "tpu.region"() ({
          %run_scoped3A = tpu.sem_alloc : memref<!tpu.dma_semaphore, #tpu.memory_space<semaphore_mem>>
          %dma_start3A = tpu.memref_slice %arg15[%add3A] : memref<800000xf32, #tpu.memory_space<hbm>> -> memref<2000xf32, #tpu.memory_space<hbm>>
          %dma_start3A_74 = tpu.memref_slice %arg15[%add3A] : memref<800000xf32, #tpu.memory_space<hbm>> -> memref<2000xf32, #tpu.memory_space<hbm>>
          tpu.enqueue_dma source(%dma_start3A_74 : memref<2000xf32, #tpu.memory_space<hbm>>) target(%arg29 : memref<2000xf32, #tpu.memory_space<vmem>>) target_semaphore(%run_scoped3A : memref<!tpu.dma_semaphore, #tpu.memory_space<semaphore_mem>>)
          %dma_wait3A = tpu.memref_slice %arg15[%add3A] : memref<800000xf32, #tpu.memory_space<hbm>> -> memref<2000xf32, #tpu.memory_space<hbm>>
          %dma_wait3A_75 = tpu.memref_slice %arg15[%add3A] : memref<800000xf32, #tpu.memory_space<hbm>> -> memref<2000xf32, #tpu.memory_space<hbm>>
          tpu.wait_dma2 semaphore(%run_scoped3A : memref<!tpu.dma_semaphore, #tpu.memory_space<semaphore_mem>>) src(%dma_wait3A_75 : memref<2000xf32, #tpu.memory_space<hbm>>) dst(%arg29 : memref<2000xf32, #tpu.memory_space<vmem>>)
          tpu.yield
        }) : () -> ()
        "tpu.region"() ({
          %run_scoped3A = tpu.sem_alloc : memref<!tpu.dma_semaphore, #tpu.memory_space<semaphore_mem>>
          %dma_start3A = tpu.memref_slice %arg10[%add3A] : memref<800000xf32, #tpu.memory_space<hbm>> -> memref<2000xf32, #tpu.memory_space<hbm>>
          %dma_start3A_74 = tpu.memref_slice %arg10[%add3A] : memref<800000xf32, #tpu.memory_space<hbm>> -> memref<2000xf32, #tpu.memory_space<hbm>>
          tpu.enqueue_dma source(%dma_start3A_74 : memref<2000xf32, #tpu.memory_space<hbm>>) target(%arg30 : memref<2000xf32, #tpu.memory_space<vmem>>) target_semaphore(%run_scoped3A : memref<!tpu.dma_semaphore, #tpu.memory_space<semaphore_mem>>)
          %dma_wait3A = tpu.memref_slice %arg10[%add3A] : memref<800000xf32, #tpu.memory_space<hbm>> -> memref<2000xf32, #tpu.memory_space<hbm>>
          %dma_wait3A_75 = tpu.memref_slice %arg10[%add3A] : memref<800000xf32, #tpu.memory_space<hbm>> -> memref<2000xf32, #tpu.memory_space<hbm>>
          tpu.wait_dma2 semaphore(%run_scoped3A : memref<!tpu.dma_semaphore, #tpu.memory_space<semaphore_mem>>) src(%dma_wait3A_75 : memref<2000xf32, #tpu.memory_space<hbm>>) dst(%arg30 : memref<2000xf32, #tpu.memory_space<vmem>>)
          tpu.yield
        }) : () -> ()
        %scan3A_59 = arith.constant 0 : i32
        %scan3A_60 = arith.constant 0 : i32
        %scan3A_61 = arith.constant 125 : i32
        %scan3A_62 = arith.addi %scan3A_60, %scan3A_61 : i32
        %scan3A_63 = arith.constant 1 : i32
        %scan3A_64 = scf.for %scan3A_74 = %scan3A_60 to %scan3A_62 step %scan3A_63 iter_args(%scan3A_75 = %scan3A_59) -> (i32)  : i32 {
          %mul3A_76 = arith.constant 16 : i32
          %mul3A_77 = arith.muli %scan3A_74, %mul3A_76 : i32
          %get3A_78 = arith.index_cast %mul3A_77 : i32 to index
          %get3A_79 = tpu.vector_load %arg27[%get3A_78] {strides = array<i32>} : memref<2000xf32, #tpu.memory_space<vmem>>, vector<16xf32>,
          %get3A_80 = vector.shape_cast %get3A_79 : vector<16xf32> to vector<16xf32>
          %get3A_81 = arith.index_cast %mul3A_77 : i32 to index
          %get3A_82 = tpu.vector_load %arg25[%get3A_81] {strides = array<i32>} : memref<2000xf32, #tpu.memory_space<vmem>>, vector<16xf32>,
          %get3A_83 = vector.shape_cast %get3A_82 : vector<16xf32> to vector<16xf32>
          %get3A_84 = arith.index_cast %mul3A_77 : i32 to index
          %get3A_85 = tpu.vector_load %arg26[%get3A_84] {strides = array<i32>} : memref<2000xf32, #tpu.memory_space<vmem>>, vector<16xf32>,
          %get3A_86 = vector.shape_cast %get3A_85 : vector<16xf32> to vector<16xf32>
          %mul3A_87 = arith.mulf %get3A_13, %get3A_86 : vector<16xf32>
          %add3A_88 = arith.addf %get3A_83, %mul3A_87 : vector<16xf32>
          %get3A_89 = arith.index_cast %mul3A_77 : i32 to index
          %get3A_90 = tpu.vector_load %arg24[%get3A_89] {strides = array<i32>} : memref<2000xf32, #tpu.memory_space<vmem>>, vector<16xf32>,
          %get3A_91 = vector.shape_cast %get3A_90 : vector<16xf32> to vector<16xf32>
          %mul3A_92 = arith.mulf %get3A_80, %get3A_91 : vector<16xf32>
          %sub3A = arith.constant 1.000000e+00 : f32
          %sub3A_93 = vector.broadcast %sub3A : f32 to vector<16xf32>
          %sub3A_94 = arith.subf %sub3A_93, %get3A_80 : vector<16xf32>
          %mul3A_95 = arith.mulf %sub3A_94, %add3A_88 : vector<16xf32>
          %add3A_96 = arith.addf %mul3A_92, %mul3A_95 : vector<16xf32>
          %sub3A_97 = arith.subf %add3A_96, %get3A_83 : vector<16xf32>
          %abs3A = math.absf %add3A_96 : vector<16xf32>
          %add3A_98 = arith.constant 9.99999996E-13 : f32
          %add3A_99 = vector.broadcast %add3A_98 : f32 to vector<16xf32>
          %add3A_100 = arith.addf %abs3A, %add3A_99 : vector<16xf32>
          %get3A_101 = arith.index_cast %mul3A_77 : i32 to index
          %get3A_102 = tpu.vector_load %arg28[%get3A_101] {strides = array<i32>} : memref<2000xf32, #tpu.memory_space<vmem>>, vector<16xf32>,
          %get3A_103 = vector.shape_cast %get3A_102 : vector<16xf32> to vector<16xf32>
          %div3A = arith.divf %add3A_100, %get3A_103 : vector<16xf32>
          %bitcast_convert_type3A = tpu.bitcast %div3A : vector<16xf32> -> vector<16xi32>
          %shift_right_logical3A = arith.constant 23 : i32
          %shift_right_logical3A_104 = vector.broadcast %shift_right_logical3A : i32 to vector<16xi32>
          %shift_right_logical3A_105 = arith.shrui %bitcast_convert_type3A, %shift_right_logical3A_104 : vector<16xi32>
          %sub3A_106 = arith.constant 127 : i32
          %sub3A_107 = vector.broadcast %sub3A_106 : i32 to vector<16xi32>
          %sub3A_108 = arith.subi %shift_right_logical3A_105, %sub3A_107 : vector<16xi32>
          %and3A = arith.constant 8388607 : i32
          %and3A_109 = vector.broadcast %and3A : i32 to vector<16xi32>
          %and3A_110 = arith.andi %bitcast_convert_type3A, %and3A_109 : vector<16xi32>
          %or3A = arith.constant 1065353216 : i32
          %or3A_111 = vector.broadcast %or3A : i32 to vector<16xi32>
          %or3A_112 = arith.ori %and3A_110, %or3A_111 : vector<16xi32>
          %bitcast_convert_type3A_113 = tpu.bitcast %or3A_112 : vector<16xi32> -> vector<16xf32>
          %sub3A_114 = arith.constant 1.000000e+00 : f32
          %sub3A_115 = vector.broadcast %sub3A_114 : f32 to vector<16xf32>
          %sub3A_116 = arith.subf %bitcast_convert_type3A_113, %sub3A_115 : vector<16xf32>
          %add3A_117 = arith.constant 1.000000e+00 : f32
          %add3A_118 = vector.broadcast %add3A_117 : f32 to vector<16xf32>
          %add3A_119 = arith.addf %bitcast_convert_type3A_113, %add3A_118 : vector<16xf32>
          %div3A_120 = arith.divf %sub3A_116, %add3A_119 : vector<16xf32>
          %mul3A_121 = arith.mulf %div3A_120, %div3A_120 : vector<16xf32>
          %mul3A_122 = arith.constant 0.412198573 : f32
          %mul3A_123 = vector.broadcast %mul3A_122 : f32 to vector<16xf32>
          %mul3A_124 = arith.mulf %mul3A_121, %mul3A_123 : vector<16xf32>
          %add3A_125 = arith.constant 0.577078044 : f32
          %add3A_126 = vector.broadcast %add3A_125 : f32 to vector<16xf32>
          %add3A_127 = arith.addf %add3A_126, %mul3A_124 : vector<16xf32>
          %mul3A_128 = arith.mulf %mul3A_121, %add3A_127 : vector<16xf32>
          %add3A_129 = arith.constant 0.9617967 : f32
          %add3A_130 = vector.broadcast %add3A_129 : f32 to vector<16xf32>
          %add3A_131 = arith.addf %add3A_130, %mul3A_128 : vector<16xf32>
          %mul3A_132 = arith.mulf %mul3A_121, %add3A_131 : vector<16xf32>
          %add3A_133 = arith.constant 2.885390e+00 : f32
          %add3A_134 = vector.broadcast %add3A_133 : f32 to vector<16xf32>
          %add3A_135 = arith.addf %add3A_134, %mul3A_132 : vector<16xf32>
          %mul3A_136 = arith.mulf %div3A_120, %add3A_135 : vector<16xf32>
          %convert_element_type3A = arith.sitofp %sub3A_108 : vector<16xi32> to vector<16xf32>
          %add3A_137 = arith.addf %convert_element_type3A, %mul3A_136 : vector<16xf32>
          %mul3A_138 = arith.constant 0.374269545 : f32
          %mul3A_139 = vector.broadcast %mul3A_138 : f32 to vector<16xf32>
          %mul3A_140 = arith.mulf %add3A_137, %mul3A_139 : vector<16xf32>
          %exp3A = math.exp %mul3A_140 : vector<16xf32>
          %sign3A = tpu.bitcast %add3A_96 : vector<16xf32> -> vector<16xi32>
          %sign3A_141 = arith.constant -2147483648 : i32
          %sign3A_142 = vector.broadcast %sign3A_141 : i32 to vector<16xi32>
          %sign3A_143 = arith.andi %sign3A, %sign3A_142 : vector<16xi32>
          %sign3A_144 = arith.constant 1065353216 : i32
          %sign3A_145 = vector.broadcast %sign3A_144 : i32 to vector<16xi32>
          %sign3A_146 = arith.ori %sign3A_145, %sign3A_143 : vector<16xi32>
          %sign3A_147 = tpu.bitcast %sign3A_146 : vector<16xi32> -> vector<16xf32>
          %sign3A_148 = math.absf %add3A_96 : vector<16xf32>
          %sign3A_149 = arith.constant 0.000000e+00 : f32
          %sign3A_150 = vector.broadcast %sign3A_149 : f32 to vector<16xf32>
          %sign3A_151 = arith.cmpf ogt, %sign3A_148, %sign3A_150 : vector<16xf32>
          %sign3A_152 = arith.select %sign3A_151, %sign3A_147, %add3A_96 : vector<16xi1>, vector<16xf32>
          %mul3A_153 = arith.mulf %exp3A, %sign3A_152 : vector<16xf32>
          %get3A_154 = arith.index_cast %mul3A_77 : i32 to index
          %get3A_155 = tpu.vector_load %arg30[%get3A_154] {strides = array<i32>} : memref<2000xf32, #tpu.memory_space<vmem>>, vector<16xf32>,
          %get3A_156 = vector.shape_cast %get3A_155 : vector<16xf32> to vector<16xf32>
          %get3A_157 = arith.index_cast %mul3A_77 : i32 to index
          %get3A_158 = tpu.vector_load %arg29[%get3A_157] {strides = array<i32>} : memref<2000xf32, #tpu.memory_space<vmem>>, vector<16xf32>,
          %get3A_159 = vector.shape_cast %get3A_158 : vector<16xf32> to vector<16xf32>
          %mul3A_160 = arith.mulf %get3A_156, %get3A_159 : vector<16xf32>
          %get3A_161 = arith.index_cast %mul3A_77 : i32 to index
          %get3A_162 = tpu.vector_load %arg30[%get3A_161] {strides = array<i32>} : memref<2000xf32, #tpu.memory_space<vmem>>, vector<16xf32>,
          %get3A_163 = vector.shape_cast %get3A_162 : vector<16xf32> to vector<16xf32>
          %sub3A_164 = arith.constant 1.000000e+00 : f32
          %sub3A_165 = vector.broadcast %sub3A_164 : f32 to vector<16xf32>
          %sub3A_166 = arith.subf %sub3A_165, %get3A_163 : vector<16xf32>
          %mul3A_167 = arith.mulf %sub3A_166, %mul3A_153 : vector<16xf32>
          %add3A_168 = arith.addf %mul3A_160, %mul3A_167 : vector<16xf32>
          %swap3A = arith.index_cast %mul3A_77 : i32 to index
          %swap3A_169 = tpu.vector_load %arg24[%swap3A] {strides = array<i32>} : memref<2000xf32, #tpu.memory_space<vmem>>, vector<16xf32>,
          %swap3A_170 = vector.shape_cast %swap3A_169 : vector<16xf32> to vector<16xf32>
          %swap3A_171 = vector.shape_cast %add3A_96 : vector<16xf32> to vector<16xf32>
          tpu.vector_store %arg24[%swap3A], %swap3A_171 {strides = array<i32>} : memref<2000xf32, #tpu.memory_space<vmem>>, vector<16xf32>,
          %swap3A_172 = arith.index_cast %mul3A_77 : i32 to index
          %swap3A_173 = tpu.vector_load %arg25[%swap3A_172] {strides = array<i32>} : memref<2000xf32, #tpu.memory_space<vmem>>, vector<16xf32>,
          %swap3A_174 = vector.shape_cast %swap3A_173 : vector<16xf32> to vector<16xf32>
          %swap3A_175 = vector.shape_cast %sub3A_97 : vector<16xf32> to vector<16xf32>
          tpu.vector_store %arg25[%swap3A_172], %swap3A_175 {strides = array<i32>} : memref<2000xf32, #tpu.memory_space<vmem>>, vector<16xf32>,
          %swap3A_176 = arith.index_cast %mul3A_77 : i32 to index
          %swap3A_177 = tpu.vector_load %arg26[%swap3A_176] {strides = array<i32>} : memref<2000xf32, #tpu.memory_space<vmem>>, vector<16xf32>,
          %swap3A_178 = vector.shape_cast %swap3A_177 : vector<16xf32> to vector<16xf32>
          %swap3A_179 = vector.shape_cast %add3A_168 : vector<16xf32> to vector<16xf32>
          tpu.vector_store %arg26[%swap3A_176], %swap3A_179 {strides = array<i32>} : memref<2000xf32, #tpu.memory_space<vmem>>, vector<16xf32>,
          %scan3A_180 = arith.constant 0 : i32
          scf.yield %scan3A_180 : i32
        }
        %scan3A_65 = arith.constant 125 : i32
        "tpu.region"() ({
          %run_scoped3A = tpu.sem_alloc : memref<!tpu.dma_semaphore, #tpu.memory_space<semaphore_mem>>
          %dma_start3A = tpu.memref_slice %arg14[%add3A] : memref<800000xf32, #tpu.memory_space<hbm>> -> memref<2000xf32, #tpu.memory_space<hbm>>
          %dma_start3A_74 = tpu.memref_slice %arg14[%add3A] : memref<800000xf32, #tpu.memory_space<hbm>> -> memref<2000xf32, #tpu.memory_space<hbm>>
          tpu.enqueue_dma source(%arg24 : memref<2000xf32, #tpu.memory_space<vmem>>) target(%dma_start3A_74 : memref<2000xf32, #tpu.memory_space<hbm>>) target_semaphore(%run_scoped3A : memref<!tpu.dma_semaphore, #tpu.memory_space<semaphore_mem>>)
          %dma_wait3A = tpu.memref_slice %arg14[%add3A] : memref<800000xf32, #tpu.memory_space<hbm>> -> memref<2000xf32, #tpu.memory_space<hbm>>
          %dma_wait3A_75 = tpu.memref_slice %arg14[%add3A] : memref<800000xf32, #tpu.memory_space<hbm>> -> memref<2000xf32, #tpu.memory_space<hbm>>
          tpu.wait_dma2 semaphore(%run_scoped3A : memref<!tpu.dma_semaphore, #tpu.memory_space<semaphore_mem>>) src(%arg24 : memref<2000xf32, #tpu.memory_space<vmem>>) dst(%dma_wait3A_75 : memref<2000xf32, #tpu.memory_space<hbm>>)
          tpu.yield
        }) : () -> ()
        "tpu.region"() ({
          %run_scoped3A = tpu.sem_alloc : memref<!tpu.dma_semaphore, #tpu.memory_space<semaphore_mem>>
          %dma_start3A = tpu.memref_slice %arg17[%add3A] : memref<800000xf32, #tpu.memory_space<hbm>> -> memref<2000xf32, #tpu.memory_space<hbm>>
          %dma_start3A_74 = tpu.memref_slice %arg17[%add3A] : memref<800000xf32, #tpu.memory_space<hbm>> -> memref<2000xf32, #tpu.memory_space<hbm>>
          tpu.enqueue_dma source(%arg25 : memref<2000xf32, #tpu.memory_space<vmem>>) target(%dma_start3A_74 : memref<2000xf32, #tpu.memory_space<hbm>>) target_semaphore(%run_scoped3A : memref<!tpu.dma_semaphore, #tpu.memory_space<semaphore_mem>>)
          %dma_wait3A = tpu.memref_slice %arg17[%add3A] : memref<800000xf32, #tpu.memory_space<hbm>> -> memref<2000xf32, #tpu.memory_space<hbm>>
          %dma_wait3A_75 = tpu.memref_slice %arg17[%add3A] : memref<800000xf32, #tpu.memory_space<hbm>> -> memref<2000xf32, #tpu.memory_space<hbm>>
          tpu.wait_dma2 semaphore(%run_scoped3A : memref<!tpu.dma_semaphore, #tpu.memory_space<semaphore_mem>>) src(%arg25 : memref<2000xf32, #tpu.memory_space<vmem>>) dst(%dma_wait3A_75 : memref<2000xf32, #tpu.memory_space<hbm>>)
          tpu.yield
        }) : () -> ()
        "tpu.region"() ({
          %run_scoped3A = tpu.sem_alloc : memref<!tpu.dma_semaphore, #tpu.memory_space<semaphore_mem>>
          %dma_start3A = tpu.memref_slice %arg18[%add3A] : memref<800000xf32, #tpu.memory_space<vmem_shared>> -> memref<2000xf32, #tpu.memory_space<vmem_shared>>
          %dma_start3A_74 = tpu.memref_slice %arg18[%add3A] : memref<800000xf32, #tpu.memory_space<vmem_shared>> -> memref<2000xf32, #tpu.memory_space<vmem_shared>>
          tpu.enqueue_dma source(%arg26 : memref<2000xf32, #tpu.memory_space<vmem>>) target(%dma_start3A_74 : memref<2000xf32, #tpu.memory_space<vmem_shared>>) target_semaphore(%run_scoped3A : memref<!tpu.dma_semaphore, #tpu.memory_space<semaphore_mem>>)
          %dma_wait3A = tpu.memref_slice %arg18[%add3A] : memref<800000xf32, #tpu.memory_space<vmem_shared>> -> memref<2000xf32, #tpu.memory_space<vmem_shared>>
          %dma_wait3A_75 = tpu.memref_slice %arg18[%add3A] : memref<800000xf32, #tpu.memory_space<vmem_shared>> -> memref<2000xf32, #tpu.memory_space<vmem_shared>>
          tpu.wait_dma2 semaphore(%run_scoped3A : memref<!tpu.dma_semaphore, #tpu.memory_space<semaphore_mem>>) src(%arg26 : memref<2000xf32, #tpu.memory_space<vmem>>) dst(%dma_wait3A_75 : memref<2000xf32, #tpu.memory_space<vmem_shared>>)
          tpu.yield
        }) : () -> ()
        "tpu.region"() ({
          %run_scoped3A = tpu.sem_alloc : memref<!tpu.dma_semaphore, #tpu.memory_space<semaphore_mem>>
          %dma_start3A = tpu.memref_slice %arg13[%add3A] : memref<800000xf32, #tpu.memory_space<hbm>> -> memref<2000xf32, #tpu.memory_space<hbm>>
          %dma_start3A_74 = tpu.memref_slice %arg13[%add3A] : memref<800000xf32, #tpu.memory_space<hbm>> -> memref<2000xf32, #tpu.memory_space<hbm>>
          tpu.enqueue_dma source(%arg26 : memref<2000xf32, #tpu.memory_space<vmem>>) target(%dma_start3A_74 : memref<2000xf32, #tpu.memory_space<hbm>>) target_semaphore(%run_scoped3A : memref<!tpu.dma_semaphore, #tpu.memory_space<semaphore_mem>>)
          %dma_wait3A = tpu.memref_slice %arg13[%add3A] : memref<800000xf32, #tpu.memory_space<hbm>> -> memref<2000xf32, #tpu.memory_space<hbm>>
          %dma_wait3A_75 = tpu.memref_slice %arg13[%add3A] : memref<800000xf32, #tpu.memory_space<hbm>> -> memref<2000xf32, #tpu.memory_space<hbm>>
          tpu.wait_dma2 semaphore(%run_scoped3A : memref<!tpu.dma_semaphore, #tpu.memory_space<semaphore_mem>>) src(%arg26 : memref<2000xf32, #tpu.memory_space<vmem>>) dst(%dma_wait3A_75 : memref<2000xf32, #tpu.memory_space<hbm>>)
          tpu.yield
        }) : () -> ()
        "tpu.region"() ({
          %run_scoped3A = tpu.sem_alloc : memref<!tpu.dma_semaphore, #tpu.memory_space<semaphore_mem>>
          %dma_start3A = tpu.memref_slice %arg16[%add3A] : memref<800000xf32, #tpu.memory_space<hbm>> -> memref<2000xf32, #tpu.memory_space<hbm>>
          %dma_start3A_74 = tpu.memref_slice %arg16[%add3A] : memref<800000xf32, #tpu.memory_space<hbm>> -> memref<2000xf32, #tpu.memory_space<hbm>>
          tpu.enqueue_dma source(%dma_start3A_74 : memref<2000xf32, #tpu.memory_space<hbm>>) target(%arg29 : memref<2000xf32, #tpu.memory_space<vmem>>) target_semaphore(%run_scoped3A : memref<!tpu.dma_semaphore, #tpu.memory_space<semaphore_mem>>)
          %dma_wait3A = tpu.memref_slice %arg16[%add3A] : memref<800000xf32, #tpu.memory_space<hbm>> -> memref<2000xf32, #tpu.memory_space<hbm>>
          %dma_wait3A_75 = tpu.memref_slice %arg16[%add3A] : memref<800000xf32, #tpu.memory_space<hbm>> -> memref<2000xf32, #tpu.memory_space<hbm>>
          tpu.wait_dma2 semaphore(%run_scoped3A : memref<!tpu.dma_semaphore, #tpu.memory_space<semaphore_mem>>) src(%dma_wait3A_75 : memref<2000xf32, #tpu.memory_space<hbm>>) dst(%arg29 : memref<2000xf32, #tpu.memory_space<vmem>>)
          tpu.yield
        }) : () -> ()
        %scan3A_66 = arith.constant 0 : i32
        %scan3A_67 = arith.constant 0 : i32
        %scan3A_68 = arith.constant 125 : i32
        %scan3A_69 = arith.addi %scan3A_67, %scan3A_68 : i32
        %scan3A_70 = arith.constant 1 : i32
        %scan3A_71 = scf.for %scan3A_74 = %scan3A_67 to %scan3A_69 step %scan3A_70 iter_args(%scan3A_75 = %scan3A_66) -> (i32)  : i32 {
          %mul3A_76 = arith.constant 16 : i32
          %mul3A_77 = arith.muli %scan3A_74, %mul3A_76 : i32
          %get3A_78 = arith.index_cast %mul3A_77 : i32 to index
          %get3A_79 = tpu.vector_load %arg26[%get3A_78] {strides = array<i32>} : memref<2000xf32, #tpu.memory_space<vmem>>, vector<16xf32>,
          %get3A_80 = vector.shape_cast %get3A_79 : vector<16xf32> to vector<16xf32>
          %get3A_81 = arith.index_cast %mul3A_77 : i32 to index
          %get3A_82 = tpu.vector_load %arg29[%get3A_81] {strides = array<i32>} : memref<2000xf32, #tpu.memory_space<vmem>>, vector<16xf32>,
          %get3A_83 = vector.shape_cast %get3A_82 : vector<16xf32> to vector<16xf32>
          %mul3A_84 = arith.mulf %get3A_10, %get3A_83 : vector<16xf32>
          %add3A_85 = arith.addf %get3A_80, %mul3A_84 : vector<16xf32>
          %swap3A = arith.index_cast %mul3A_77 : i32 to index
          %swap3A_86 = tpu.vector_load %arg26[%swap3A] {strides = array<i32>} : memref<2000xf32, #tpu.memory_space<vmem>>, vector<16xf32>,
          %swap3A_87 = vector.shape_cast %swap3A_86 : vector<16xf32> to vector<16xf32>
          %swap3A_88 = vector.shape_cast %add3A_85 : vector<16xf32> to vector<16xf32>
          tpu.vector_store %arg26[%swap3A], %swap3A_88 {strides = array<i32>} : memref<2000xf32, #tpu.memory_space<vmem>>, vector<16xf32>,
          %scan3A_89 = arith.constant 0 : i32
          scf.yield %scan3A_89 : i32
        }
        %scan3A_72 = arith.constant 125 : i32
        "tpu.region"() ({
          %run_scoped3A = tpu.sem_alloc : memref<!tpu.dma_semaphore, #tpu.memory_space<semaphore_mem>>
          %dma_start3A = tpu.memref_slice %arg19[%add3A] : memref<800000xf32, #tpu.memory_space<vmem_shared>> -> memref<2000xf32, #tpu.memory_space<vmem_shared>>
          %dma_start3A_74 = tpu.memref_slice %arg19[%add3A] : memref<800000xf32, #tpu.memory_space<vmem_shared>> -> memref<2000xf32, #tpu.memory_space<vmem_shared>>
          tpu.enqueue_dma source(%arg26 : memref<2000xf32, #tpu.memory_space<vmem>>) target(%dma_start3A_74 : memref<2000xf32, #tpu.memory_space<vmem_shared>>) target_semaphore(%run_scoped3A : memref<!tpu.dma_semaphore, #tpu.memory_space<semaphore_mem>>)
          %dma_wait3A = tpu.memref_slice %arg19[%add3A] : memref<800000xf32, #tpu.memory_space<vmem_shared>> -> memref<2000xf32, #tpu.memory_space<vmem_shared>>
          %dma_wait3A_75 = tpu.memref_slice %arg19[%add3A] : memref<800000xf32, #tpu.memory_space<vmem_shared>> -> memref<2000xf32, #tpu.memory_space<vmem_shared>>
          tpu.wait_dma2 semaphore(%run_scoped3A : memref<!tpu.dma_semaphore, #tpu.memory_space<semaphore_mem>>) src(%arg26 : memref<2000xf32, #tpu.memory_space<vmem>>) dst(%dma_wait3A_75 : memref<2000xf32, #tpu.memory_space<vmem_shared>>)
          tpu.yield
        }) : () -> ()
        %scan3A_73 = arith.constant 0 : i32
        scf.yield %scan3A_73 : i32
      }
      %scan3A_52 = arith.constant 25 : i32
      %barrier3A_53 = arith.constant 0 : index
      tpu.barrier barrier_id(%barrier3A_53)
      %scan3A_54 = arith.constant 0 : i32
      scf.yield %scan3A_54 : i32
    }
    %scan3A_20 = arith.constant 5 : i32
    return
  }
}

</mosaic_0001>

<sc_bundles>
// kernel: kernel.3.cloned.1.call-start
scs
__scs_entry_jumppad:
0x0: {  	(pc) =	sbr.rel $0x88, $3  }
0x1: {  	(tag) =	ssettag $0x0;
	lr =	simm.s32 $0x1  }
0x2: {  	[smem:$0x3F98] =	sst lr;
	_ =	strace $0xD0000000  }
0x3: {  	_ = 	snop  }
0x4: {  	_ = 	snop  }
0x5: {  	_ = 	snop  }
0x6: {  	_ = 	snop  }
0x7: {  	_ = 	snop  }
__scs_overlays_trampoline_lowered:
0x8: {  	[smem:$0x3FA7] =	sst s0  }
0x9: {  	[smem:$0x3FA8] =	sst s1  }
0xa: {  	[smem:$0x3FA9] =	sst s2  }
0xb: {  	[smem:$0x3FAA] =	sst s3  }
0xc: {  	[smem:$0x3FAB] =	sst s4  }
0xd: {  	[smem:$0x3FAC] =	sst s5  }
0xe: {  	[smem:$0x3FAD] =	sst s6  }
0xf: {  	[smem:$0x3FAE] =	sst s7  }
0x10: {  	[smem:$0x3FAF] =	sst s8  }
0x11: {  	[smem:$0x3FB0] =	sst s9;
	s0 =	simm.s32 @!p0 $0x0  }
0x12: {  	s1 =	sld [smem:$0x3F96];
	s0 =	simm.s32 @p0 $0x1  }
0x13: {  	[smem:$0x3FB1] =	sst s0;
	s0 =	simm.s32 @!p1 $0x0  }
0x14: {  	s2 =	sld [smem:$0x3F95];
	s0 =	simm.s32 @p1 $0x1  }
0x15: {  	[smem:$0x3FB2] =	sst s0;
	s0 =	simm.s32 @!p2 $0x0  }
0x16: {  	s3 =	sld [smem:$0x3FDB];
	s0 =	simm.s32 @p2 $0x1  }
0x17: {  	s4 =	simm.s32 $0x1BF5;
	[smem:$0x3FB4] =	sst s0  }
0x18: {  	s0 =	sld [smem:$0x3F97];
	_ =	swait.ge [sflag:s4], $0x0  }
0x19: {  	s7 =	sld [smem:$0x3F98]  }
0x1a: {  	s8 =	sadd.s32 $0xFFFFE003, lr  }
0x1b: {  	s9 =	sadd.s32 $0xFFFFFEF7, lr;
	s5 =	simm.s32 $0xFFFFFFFF;
	p2 =	slt.u32 s8, $0xFFFFF086  }
0x1c: {  	p1 =	slt.u32 s9, $0xF7A;
	s5 =	simm.s32 @!p2 $0x0  }
0x1d: {  	s5 =	simm.s32 @p1 $0x1;
	p0 =	seq.s32 s7, s2  }
0x1e: {  	s7 =	smul.u32 @!p0 $0xF7A, s2;
	p2 =	seq.s32 @!p0 s5, $0x0  }
0x1f: {  	s9 =	smul.u32 $0xF7A, s1;
	s8 =	simm.s32 @!p0 $0x1BF5;
	p2 =	por !p2, p0  }
0x20: {  	[sflag:s8] =	ssyncset.s32 @!p0 $0xFFFFF086;
	s6 =	sadd.s32 @!p0 s3, s7;
	s7 =	simm.s32 @!p0 $0x108  }
0x21: {  	s3 =	sadd.s32 s3, s9;
	s6 =	sadd.s32 @!p0 $0x88, s6;
	s7 =	simm.s32 @p2 $0x1082  }
0x22: {  	[simem:s7], [sflag:s8] =	dma.local @!p0 [hbm:s6], $0xF7A  }
0x23: {  	s9 =	sor.u32 $0xD0000000, s2;
	s6 =	simm.s32 $0x108;
	_ =	swait.ge @!p0 [sflag:s8], $0x0  }
0x24: {  	s3 =	sadd.s32 $0x88, s3;
	s6 =	simm.s32 @!p1 $0x1082;
	[sflag:s4] =	ssyncset.s32 $0xFFFFF086  }
0x25: {  	[simem:s6], [sflag:s4] =	dma.local [hbm:s3], $0xF7A  }
0x26: {  	[smem:$0x3F98] =	sst s1;
	(tag) =	ssettag s2;
	_ =	strace s9  }
0x27: {  	s1 =	sld [smem:$0x3FA8]  }
0x28: {  	s2 =	sld [smem:$0x3FA9]  }
0x29: {  	s4 =	sld [smem:$0x3FAB]  }
0x2a: {  	p0 =	seq.s32 s5, $0x0;
	s5 =	sld [smem:$0x3FAC]  }
0x2b: {  	s6 =	sld [smem:$0x3FAD]  }
0x2c: {  	s7 =	sld [smem:$0x3FAE]  }
0x2d: {  	s3 =	simm.s32 $0x108;
	s8 =	sld [smem:$0x3FAF]  }
0x2e: {  	s3 =	simm.s32 @!p0 $0x1082;
	s9 =	sld [smem:$0x3FB0]  }
0x2f: {  	lr =	sadd.s32 s0, s3;
	s0 =	sld [smem:$0x3FA7]  }
0x30: {  	s3 =	sld [smem:$0x3FAA]  }
0x31: {  	[smem:$0x3FB3] =	sst s10  }
0x32: {  	s10 =	sld [smem:$0x3FB1];
	_ =	sdelay $0x3  }
0x33: {  	p0 =	seq.s32 s10, $0x1;
	s10 =	sld [smem:$0x3FB3];
	_ =	sdelay $0x3  }
0x34: {  	[smem:$0x3FB3] =	sst s10  }
0x35: {  	s10 =	sld [smem:$0x3FB2];
	_ =	sdelay $0x3  }
0x36: {  	p1 =	seq.s32 s10, $0x1;
	s10 =	sld [smem:$0x3FB3];
	_ =	sdelay $0x3  }
0x37: {  	[smem:$0x3FB3] =	sst s10  }
0x38: {  	s10 =	sld [smem:$0x3FB4]  }
0x39: {  	_ = 	snop;
	(pc) =	sbr.ind lr, $3  }
0x3a: {  	_ = 	snop  }
0x3b: {  	_ = 	snop  }
0x3c: {  	p2 =	seq.s32 s10, $0x1;
	s10 =	sld [smem:$0x3FB3]  }
0x3d: {  	_ =	shalt  }
0x3e: {  	_ =	shalt  }
0x3f: {  	_ =	shalt  }
0x40: {  	_ =	shalt  }
0x41: {  	_ =	shalt  }
0x42: {  	_ =	shalt  }
0x43: {  	_ =	shalt  }
0x44: {  	_ =	shalt  }
0x45: {  	_ =	shalt  }
0x46: {  	_ =	shalt  }
0x47: {  	_ =	shalt  }
0x48: {  	_ =	shalt  }
0x49: {  	_ =	shalt  }
0x4a: {  	_ =	shalt  }
0x4b: {  	_ =	shalt  }
0x4c: {  	_ =	shalt  }
0x4d: {  	_ =	shalt  }
0x4e: {  	_ =	shalt  }
0x4f: {  	_ =	shalt  }
0x50: {  	_ =	shalt  }
0x51: {  	_ =	shalt  }
0x52: {  	_ =	shalt  }
0x53: {  	_ =	shalt  }
0x54: {  	_ =	shalt  }
0x55: {  	_ =	shalt  }
0x56: {  	_ =	shalt  }
0x57: {  	_ =	shalt  }
0x58: {  	_ =	shalt  }
0x59: {  	_ =	shalt  }
0x5a: {  	_ =	shalt  }
0x5b: {  	_ =	shalt  }
0x5c: {  	_ =	shalt  }
0x5d: {  	_ =	shalt  }
0x5e: {  	_ =	shalt  }
0x5f: {  	_ =	shalt  }
0x60: {  	_ =	shalt  }
0x61: {  	_ =	shalt  }
0x62: {  	_ =	shalt  }
0x63: {  	_ =	shalt  }
0x64: {  	_ =	shalt  }
0x65: {  	_ =	shalt  }
0x66: {  	_ =	shalt  }
0x67: {  	_ =	shalt  }
0x68: {  	_ =	shalt  }
0x69: {  	_ =	shalt  }
0x6a: {  	_ =	shalt  }
0x6b: {  	_ =	shalt  }
0x6c: {  	_ =	shalt  }
0x6d: {  	_ =	shalt  }
0x6e: {  	_ =	shalt  }
0x6f: {  	_ =	shalt  }
0x70: {  	_ =	shalt  }
0x71: {  	_ =	shalt  }
0x72: {  	_ =	shalt  }
0x73: {  	_ =	shalt  }
0x74: {  	_ =	shalt  }
0x75: {  	_ =	shalt  }
0x76: {  	_ =	shalt  }
0x77: {  	_ =	shalt  }
0x78: {  	_ =	shalt  }
0x79: {  	_ =	shalt  }
0x7a: {  	_ =	shalt  }
0x7b: {  	_ =	shalt  }
0x7c: {  	_ =	shalt  }
0x7d: {  	_ =	shalt  }
0x7e: {  	_ =	shalt  }
0x7f: {  	_ =	shalt  }
0x80: {  	_ =	shalt  }
0x81: {  	_ =	shalt  }
0x82: {  	_ =	shalt  }
0x83: {  	_ =	shalt  }
0x84: {  	_ =	shalt  }
0x85: {  	_ =	shalt  }
0x86: {  	_ =	shalt  }
0x87: {  	_ =	shalt  }
.Lfunc_end0:
.L_simem_size_0:
called_computation_lowered:
.L_overlay_start_0:
0x88: {  	s0 =	sld [smem:$0x3FD9]  }
0x89: {  	s1 =	sld [smem:$0x3FFE];
	_ =	sdelay $0x3  }
0x8a: {  	s0 =	sadd.s32 s1, s0  }
0x8b: {  	[smem:$0x3FBF] =	sst s0  }
0x8c: {  	_ = 	snop  }
0x8d: {  	s0 =	sld [smem:$0x3FD0];
	_ =	sdelay $0x2  }
0x8e: {  	s13 =	simm.s32 $0xA;
	s2 =	simm.s32 $0x10  }
0x8f: {  	[smem:s2], [sflag:s13] =	dma.local [hbm:s0], $0x1  }
0x90: {  	_ =	swait.eq [sflag:s13], $0x1  }
0x91: {  	[sflag:s13] =	ssyncset.done $0x0  }
0x92: {  	[sflag:s13] =	ssyncadd.s32 $0xFFFFFFFF  }
0x93: {  	s14 =	sld [smem:$0x11];
	(tm) =	ssettm $0x1  }
0x94: {  	s15 =	sld [smem:$0x3FFB];
	_ =	sdelay $0x3  }
0x95: {  	_ =	strace s15  }
0x96: {  	s1 =	sld [smem:$0x3FFC];
	_ =	sdelay $0x3  }
0x97: {  	_ =	strace s1  }
0x98: {  	s1 =	sld [smem:$0x3FFD];
	_ =	sdelay $0x3  }
0x99: {  	_ =	strace s1  }
0x9a: {  	_ =	strace $0x8FFFFFFF  }
0x9b: {  	s16 =	sld [smem:$0x3FDB];
	_ =	sdelay $0x1  }
0x9c: {  	s17 =	simm.s32 $_scs_section_size  }
0x9d: {  	s3 =	simm.s32 $_size__tile_overlayer_lowered;
	s4 =	simm.s32 $_tile_overlayer_lowered  }
0x9e: {  	s20 =	simm.s32 $0x1BFF;
	s19 =	sshll.u32 s4, $0x1;
	s1 =	sadd.s32 s17, s16  }
0x9f: {  	s5 =	simm.s32 $0x0;
	s18 =	sshll.u32 s3, $0x1;
	s3 =	sadd.s32 s19, s1  }
0xa0: {  	[timem:s5], [sflag:s20] =	dma.local [hbm:s3], s18  }
0xa1: {  	_ =	swait.ge [sflag:s20], s18  }
0xa2: {  	s2 =	ssub.s32 $0x0, s18;
	[sflag:s20] =	ssyncset.done $0x0  }
0xa3: {  	[sflag:s20] =	ssyncadd.s32 s2;
	_ =	sdelay $0x1  }
0xa4: {  	s21 =	simm.s32 $0x1B8B  }
0xa5: {  	_ =	swait.ge [sflag:s21], $0x1  }
0xa6: {  	[sflag:s21] =	ssyncset.done $0x0  }
0xa7: {  	s23 =	simm.s32 $0x1B8E;
	s22 =	sld [smem:$0x3FFE];
	[sflag:s21] =	ssyncadd.s32 $0xFFFFFFFF  }
0xa8: {  	s24 =	simm.s32 $execute0_lowered;
	[smem:$0x3FD2] =	sst s23  }
0xa9: {  	s3 =	sshll.u32 s24, $0x1;
	_ =	strace $0x80000046;
	[dreg:$0x1] =	wrdreg $0xFFFFFFFF  }
0xaa: {  	s25 =	simm.s32 $_size_execute0_lowered;
	s1 =	sadd.s32 s1, s3;
	[dreg:$0x0] =	wrdreg $0x0  }
0xab: {  	s3 =	sshll.u32 s25, $0x1;
	[dreg:$0x2] =	wrdreg s1  }
0xac: {  	[dreg:$0x3] =	wrdreg s3  }
0xad: {  	[dreg:$0x4] =	wrdreg $0xC0  }
0xae: {  	_ =	task [dreg:s5], $0x5FFFF  }
0xaf: {  	[dreg:$0x1] =	wrdreg $0xFFFFFFFF  }
0xb0: {  	[dreg:$0x0] =	wrdreg $0x60  }
0xb1: {  	[dreg:$0x2] =	wrdreg s22  }
0xb2: {  	[dreg:$0x3] =	wrdreg s14  }
0xb3: {  	[dreg:$0x4] =	wrdreg $0x0  }
0xb4: {  	[dreg:$0x5] =	wrdreg $0xC3500  }
0xb5: {  	[dreg:$0x6] =	wrdreg $0x9  }
0xb6: {  	_ =	task.clear_ibuf [dreg:s5], $0x7FFFF;
	_ =	strace $0x90000046  }
0xb7: {  	s26 =	simm.s32 $0x9;
	_ =	strace $0x80000048  }
0xb8: {  	_ =	swait.ge [sflag:s26], $0x1  }
0xb9: {  	[sflag:s26] =	ssyncadd.s32 $0xFFFFFFFF  }
0xba: {  	_ =	strace $0x90000048  }
0xbb: {  	_ =	sfence  }
0xbc: {  	s28 =	sld [smem:$0x0];
	_ =	sdelay $0x1  }
0xbd: {  	s29 =	srdreg.scid  }
0xbe: {  	s30 =	sshll.u32 s29, $0xD;
	s31 =	sshrl.u32 s29, $0x2  }
0xbf: {  	s2 =	sand.u32 $0x4000, s30;
	s1 =	sand.u32 $0x1, s29;
	s0 =	sadd.s32 s31, s28  }
0xc0: {  	s1 =	sor.u32 s2, s1;
	s0 =	sshll.u32 s0, $0x11  }
0xc1: {  	s0 =	sor.u32 s0, s1  }
0xc2: {  	s0 =	sadd.s32 $0x8F2B, s0  }
0xc3: {  	[sflag:s0] =	ssyncadd.remote.s32 $0x1  }
0xc4: {  	_ =	sfence.sel $0xFFFF  }
0xc5: {  	[dreg:$0x0] =	wrdreg $0xFFFFFFFF;
	(pc) =	sbr.abs _section_cstart, $3  }
0xc6: {  	[dreg:$0x1] =	wrdreg $0xFFFFFFFF  }
0xc7: {  	_ =	task.clear_ibuf [dreg:s5], $0x2FFFF;
	_ =	strace $0x9FFFFFFF  }
0xc8: {  	(tm) =	ssettm $0x7FFFFFFF  }
0xc9: {  	_ =	shalt  }
tec
execute0_lowered:
.L_overlay_start_1:
0x0: {  	(tag) =	ssettag $0x1  }
0x1: {  	s1 =	rddreg [dreg:$0x0]  }
0x2: {  	s0 =	rddreg [dreg:$0x1]  }
0x3: {  	s2 =	rddreg [dreg:$0x2]  }
0x4: {  	s3 =	rddreg [dreg:$0x3];
	s7 =	simm.s32 $0x0  }
0x5: {  	s18 =	stileid.u32;
	s9 =	simm.s32 $0x2;
	s12 =	simm.s32 $0x1AEA0  }
0x6: {  	s13 =	simm.s32 $0x0;
	[smem:$0x7FF] =	sst s7;
	s8 =	sadd.s32 $0x2AD800, s1  }
0x7: {  	s25 =	sadd.s32 $0x1E9800, s1;
	_ =	strace $0x80000047;
	[dreg:$0x5] =	wrdreg s8  }
0x8: {  	s4 =	sadd.s32 $0x30F800, s1;
	s26 =	sadd.s32 $0x187800, s1;
	[dreg:$0x6] =	wrdreg s25  }
0x9: {  	s5 =	sadd.s32 $0x24B800, s1;
	s28 =	sadd.s32 $0xDC000, s1;
	[dreg:$0x7] =	wrdreg s26  }
0xa: {  	s6 =	sadd.s32 $0x125800, s1;
	s29 =	sadd.s32 $0xC3800, s1;
	[dreg:$0x8] =	wrdreg s28  }
0xb: {  	s10 =	sadd.s32 $0xF4800, s1;
	s30 =	sadd.s32 $0x49800, s1;
	[dreg:$0x9] =	wrdreg s29  }
0xc: {  	s11 =	sadd.s32 $0x10D000, s1;
	s31 =	sadd.s32 $0x62000, s1;
	[dreg:$0xa] =	wrdreg s30  }
0xd: {  	s17 =	sadd.s32 $0x18800, s1;
	s1 =	sadd.s32 $0x31000, s1;
	[dreg:$0xb] =	wrdreg s31  }
0xe: {  	v0 =	vimm.f32 $0.0e+00;
	s19 =	smul.u32 $0xC350, s18;
	[dreg:$0xc] =	wrdreg s1;
	s8 =	simm.s32 $0x1A6A0  }
.LBB2_1:
0xf: {  	s14 =	smul.u32 $0x7D0, s13;
	_ =	sdelay $0x1  }
0x10: {  	s15 =	sadd.s32 s19, s14  }
0x11: {  	s14 =	sshrl.u32 s15, $0x3  }
0x12: {  	s16 =	sadd.s32 s10, s14  }
0x13: {  	[tilespmem:s8], [sflag:$0x2] =	stream.linear.gather [hbm4b:s16+s7], $0x7D0, $0x38;
	[tilespmem:$0x1DEA0] =	vst v63  }
0x14: {  	_ =	swait.ge [sflag:s9], $0x7D0  }
0x15: {  	[sflag:s9] =	ssyncset.done $0x0  }
0x16: {  	s31 =	sadd.s32 s15, s2;
	[sflag:s9] =	ssyncadd.s32 $0xFFFFF830  }
0x17: {  	[spmem:s31] =	stream.linear.scatter [tilespmem:s8], [sflag:$0x2], $0x7D0, $0x38;
	[tilespmem:$0x1DEA0] =	vst v63  }
0x18: {  	_ =	swait.ge [sflag:s9], $0x7D0  }
0x19: {  	[sflag:s9] =	ssyncset.done $0x0  }
0x1a: {  	s15 =	sadd.s32 s15, s3;
	[sflag:s9] =	ssyncadd.s32 $0xFFFFF830  }
0x1b: {  	[spmem:s15] =	stream.linear.scatter [tilespmem:s8], [sflag:$0x2], $0x7D0, $0x38;
	[tilespmem:$0x1DEA0] =	vst v63  }
0x1c: {  	_ =	swait.ge [sflag:s9], $0x7D0  }
0x1d: {  	[sflag:s9] =	ssyncset.done $0x0  }
0x1e: {  	s16 =	simm.s32 $0x0;
	s15 =	simm.s32 $0x40;
	[sflag:s9] =	ssyncadd.s32 $0xFFFFF830  }
.LBB2_2:
0x1f: {  	p0 =	sne.s32 s15, $0x1F00;
	[tilespmem:s16+$0x1AEA0] =	vst v0;
	s16 =	smov.u32 s15;
	s15 =	sadd.s32 $0x40, s15  }
.Ltmp0:
0x20: {  	(pc) =	sbr.rel @p0 .LBB2_2-.Ltmp0, $2  }
0x21: {  	_ =	sdelay $0x2  }
0x22: {  	s16 =	sshra.s32 s16, $0x2  }
0x23: {  	s13 =	sadd.s32 $0x1, s13  }
0x24: {  	s1 =	rddreg [dreg:$0xc];
	p0 =	sne.s32 s13, $0x19  }
.Ltmp1:
0x25: {  	[tilespmem:s16+$0x1AEA0] =	vst v0;
	s14 =	sadd.s32 s1, s14;
	(pc) =	sbr.rel @p0 .LBB2_1-.Ltmp1, $4  }
0x26: {  	[hbm4b:s14+s7] =	stream.linear.scatter [tilespmem:s12], [sflag:$0x2], $0x7D0, $0x38;
	[tilespmem:$0x1DEA0] =	vst v63  }
0x27: {  	_ =	swait.ge [sflag:s9], $0x7D0  }
0x28: {  	[sflag:s9] =	ssyncset.done $0x0  }
0x29: {  	[sflag:s9] =	ssyncadd.s32 $0xFFFFF830  }
0x2a: {  	s1 =	simm.s32 $0x0;
	s21 =	simm.s32 $0x1A6A0;
	s22 =	simm.s32 $0x2  }
0x2b: {  	[tilespmem:s21], [sflag:$0x2] =	stream.linear.gather [hbm4b:s0+s1], $0x20, $0x38;
	[tilespmem:$0x1DEA0] =	vst v63  }
0x2c: {  	s23 =	smul.u32 $0x31000, s18;
	s24 =	simm.s32 $0x18EA0;
	_ =	swait.ge [sflag:s22], $0x20  }
0x2d: {  	s25 =	simm.s32 $0x196A0;
	s26 =	simm.s32 $0x186A0;
	[sflag:s22] =	ssyncset.done $0x0  }
0x2e: {  	s28 =	simm.s32 $0x800;
	s29 =	simm.s32 $0x19EA0;
	[sflag:s22] =	ssyncadd.s32 $0xFFFFFFE0  }
0x2f: {  	s30 =	simm.s32 $0x1;
	s31 =	simm.s32 $0x3;
	s13 =	simm.s32 $0x1B6A0;
	v2 =	vimm.f32 $1.000000000e+00;
	v0 =	vld [tilespmem:$0x1A6A0]  }
0x30: {  	s20 =	simm.s32 $0x1BEA0;
	s0 =	simm.s32 $0x1AEA0;
	v2 =	vand.u32 $0x7FFFFFFF, v2;
	v1 =	vld [tilespmem:$0x1A6B0];
	[bflag:$0x0] =	sbarrier.arrive $0xFFFF  }
.LBB2_5:
0x31: {  	[dreg:$0xd] =	wrdreg s1;
	s8 =	simm.s32 $0x0  }
.LBB2_6:
0x32: {  	s7 =	simm.s32 $0x0;
	s9 =	simm.s32 $0x0  }
.LBB2_7:
0x33: {  	s12 =	sshll.u32 s9, $0xB  }
0x34: {  	s12 =	sadd.s32 s23, s12  }
0x35: {  	s12 =	sshrl.u32 s12, $0x3  }
0x36: {  	s14 =	sadd.s32 s5, s12  }
0x37: {  	[tilespmem:s24], [sflag:$0x2] =	stream.linear.gather [hbm4b:s14+s7], $0x800, $0x38;
	[tilespmem:$0x1DEA0] =	vst v63  }
0x38: {  	_ =	swait.ge [sflag:s22], $0x800  }
0x39: {  	[sflag:s22] =	ssyncset.done $0x0  }
0x3a: {  	s18 =	sadd.s32 s6, s12;
	[sflag:s22] =	ssyncadd.s32 $0xFFFFF800  }
0x3b: {  	[tilespmem:s25], [sflag:$0x2] =	stream.linear.gather [hbm4b:s18+s7], $0x800, $0x38;
	[tilespmem:$0x1DEA0] =	vst v63  }
0x3c: {  	_ =	swait.ge [sflag:s22], $0x800  }
0x3d: {  	[sflag:s22] =	ssyncset.done $0x0  }
0x3e: {  	s12 =	sadd.s32 s4, s12;
	[sflag:s22] =	ssyncadd.s32 $0xFFFFF800  }
0x3f: {  	[tilespmem:s26], [sflag:$0x2] =	stream.linear.gather [hbm4b:s12+s7], $0x800, $0x38;
	[tilespmem:$0x1DEA0] =	vst v63  }
0x40: {  	_ =	swait.ge [sflag:s22], $0x800  }
0x41: {  	[sflag:s22] =	ssyncset.done $0x0  }
0x42: {  	[sflag:s22] =	ssyncadd.s32 $0xFFFFF800  }
0x43: {  	[tilespmem:s29], [sflag:$0x1] =	stream.indirect.gather [spmem:s2], $0x1, s24, s28, $0xb8;
	[tilespmem:$0x1DEA0] =	vst v63  }
0x44: {  	_ =	swait.ge [sflag:s30], $0x800  }
0x45: {  	[sflag:s30] =	ssyncset.done $0x0  }
0x46: {  	s12 =	simm.s32 $0x0;
	[sflag:s30] =	ssyncadd.s32 $0xFFFFF800  }
0x47: {  	s14 =	simm.s32 $0x40;
	v3 =	vld [tilespmem:s12+$0x196A0]  }
.LBB2_8:
0x48: {  	p0 =	sne.s32 s14, $0x1FC0;
	v4 =	vld [tilespmem:s12+$0x19EA0];
	_ =	sdelay $0x2  }
.Ltmp2:
0x49: {  	(pc) =	sbr.rel @p0 .LBB2_8-.Ltmp2, $4  }
0x4a: {  	_ = 	snop  }
0x4b: {  	v4 =	vmul.f32 v3, v4  }
0x4c: {  	s15 =	sshra.s32 s14, $0x2  }
0x4d: {  	s14 =	sadd.s32 $0x40, s14;
	v3 =	vld [tilespmem:s15+$0x196A0];
	[tilespmem:s12+$0x19EA0] =	vst v4;
	s12 =	smov.u32 s15  }
0x4e: {  	v4 =	vld [tilespmem:s12+$0x19EA0];
	_ =	sdelay $0x4  }
0x4f: {  	s9 =	sadd.s32 $0x1, s9;
	v3 =	vmul.f32 v3, v4  }
0x50: {  	p0 =	sne.s32 s9, $0x62  }
.Ltmp3:
0x51: {  	[tilespmem:s12+$0x19EA0] =	vst v3;
	(pc) =	sbr.rel @p0 .LBB2_7-.Ltmp3, $4  }
0x52: {  	[spmem:s3] =	stream.indirect.scatter.add.f32 [tilespmem:s29], [sflag:$0x2], $0x1, s26, s28, $0xb8;
	[tilespmem:$0x1DEA0] =	vst v63  }
0x53: {  	_ =	swait.ge [sflag:s22], $0x800  }
0x54: {  	[sflag:s22] =	ssyncset.done $0x0  }
0x55: {  	[sflag:s22] =	ssyncadd.s32 $0xFFFFF800  }
0x56: {  	[bflag:$0x0] =	sbarrier.arrive $0xFFFF  }
0x57: {  	s7 =	simm.s32 $0x0;
	p0 =	sne.s32 s8, $0x2;
	s9 =	simm.s32 $0x0  }
.LBB2_11:
0x58: {  	s12 =	smul.u32 $0x7D0, s9;
	_ =	sdelay $0x1  }
0x59: {  	s12 =	sadd.s32 s19, s12  }
0x5a: {  	s14 =	sadd.s32 s12, s3  }
0x5b: {  	[tilespmem:s21], [sflag:$0x3] =	stream.linear.gather [spmem:s14], $0x7D0, $0x38;
	[tilespmem:$0x1DEA0] =	vst v63  }
0x5c: {  	_ =	swait.ge [sflag:s31], $0x7D0  }
0x5d: {  	[sflag:s31] =	ssyncset.done $0x0  }
0x5e: {  	s15 =	sadd.s32 s12, s2;
	[sflag:s31] =	ssyncadd.s32 $0xFFFFF830  }
0x5f: {  	[tilespmem:s0], [sflag:$0x3] =	stream.linear.gather [spmem:s15], $0x7D0, $0x38;
	[tilespmem:$0x1DEA0] =	vst v63  }
0x60: {  	_ =	swait.ge [sflag:s31], $0x7D0  }
0x61: {  	s12 =	sshrl.u32 s12, $0x3;
	[sflag:s31] =	ssyncset.done $0x0  }
0x62: {  	s16 =	sadd.s32 s10, s12;
	[sflag:s31] =	ssyncadd.s32 $0xFFFFF830  }
0x63: {  	[tilespmem:s13], [sflag:$0x3] =	stream.linear.gather [hbm4b:s16+s7], $0x7D0, $0x38;
	[tilespmem:$0x1DEA0] =	vst v63  }
0x64: {  	_ =	swait.ge [sflag:s31], $0x7D0  }
0x65: {  	[sflag:s31] =	ssyncset.done $0x0  }
0x66: {  	s18 =	sadd.s32 s11, s12;
	[sflag:s31] =	ssyncadd.s32 $0xFFFFF830  }
0x67: {  	[tilespmem:s20], [sflag:$0x3] =	stream.linear.gather [hbm4b:s18+s7], $0x7D0, $0x38;
	[tilespmem:$0x1DEA0] =	vst v63  }
0x68: {  	_ =	swait.ge [sflag:s31], $0x7D0  }
0x69: {  	[sflag:s31] =	ssyncset.done $0x0  }
0x6a: {  	s16 =	simm.s32 $0x0;
	[sflag:s31] =	ssyncadd.s32 $0xFFFFF830  }
0x6b: {  	s18 =	simm.s32 $0x40;
	v3 =	vld [tilespmem:s16+$0x1BEA0]  }
.LBB2_12:
0x6c: {  	p1 =	sne.s32 s18, $0x1F00;
	v4 =	vld [tilespmem:s16+$0x1A6A0];
	_ =	sdelay $0x1  }
0x6d: {  	v5 =	vld [tilespmem:s16+$0x1B6A0];
	_ =	sdelay $0x1  }
0x6e: {  	v6 =	vld [tilespmem:s16+$0x1AEA0]  }
0x6f: {  	v3 =	vmul.f32 v4, v3;
	_ =	sdelay $0x1  }
0x70: {  	v3 =	vadd.f32 v3, v5;
	_ =	sdelay $0x1  }
0x71: {  	v4 =	vsub.f32 v3, v6;
	[tilespmem:s16+$0x1AEA0] =	vst v3;
	_ =	sdelay $0x1  }
.Ltmp4:
0x72: {  	v5 =	vmul.f32 v4, v0;
	[tilespmem:s16+$0x1B6A0] =	vst v4;
	(pc) =	sbr.rel @p1 .LBB2_12-.Ltmp4, $4  }
0x73: {  	_ = 	snop  }
0x74: {  	v4 =	vadd.f32 v5, v3  }
0x75: {  	s1 =	sshra.s32 s18, $0x2  }
0x76: {  	s18 =	sadd.s32 $0x40, s18;
	v3 =	vld [tilespmem:s1+$0x1BEA0];
	[tilespmem:s16+$0x1A6A0] =	vst v4;
	s16 =	smov.u32 s1  }
0x77: {  	v4 =	vld [tilespmem:s16+$0x1A6A0];
	_ =	sdelay $0x1  }
0x78: {  	v5 =	vld [tilespmem:s16+$0x1B6A0];
	_ =	sdelay $0x1  }
0x79: {  	v6 =	vld [tilespmem:s16+$0x1AEA0]  }
0x7a: {  	v3 =	vmul.f32 v4, v3;
	_ =	sdelay $0x1  }
0x7b: {  	v3 =	vadd.f32 v3, v5;
	_ =	sdelay $0x1  }
0x7c: {  	v62 =	vsub.f32 v3, v6;
	_ =	sdelay $0x1  }
0x7d: {  	v63 =	vmul.f32 v62, v0;
	_ =	sdelay $0x1  }
0x7e: {  	[tilespmem:s16+$0x1AEA0] =	vst v3;
	v3 =	vadd.f32 v63, v3  }
0x7f: {  	[tilespmem:s16+$0x1B6A0] =	vst v62  }
0x80: {  	[tilespmem:s16+$0x1A6A0] =	vst v3  }
0x81: {  	[spmem:s15] =	stream.linear.scatter [tilespmem:s0], [sflag:$0x3], $0x7D0, $0x38;
	[tilespmem:$0x1DEA0] =	vst v63  }
0x82: {  	_ =	swait.ge [sflag:s31], $0x7D0  }
0x83: {  	[sflag:s31] =	ssyncset.done $0x0  }
0x84: {  	[sflag:s31] =	ssyncadd.s32 $0xFFFFF830  }
0x85: {  	[spmem:s14] =	stream.linear.scatter [tilespmem:s21], [sflag:$0x3], $0x7D0, $0x38;
	[tilespmem:$0x1DEA0] =	vst v63  }
0x86: {  	_ =	swait.ge [sflag:s31], $0x7D0  }
0x87: {  	s1 =	sadd.s32 @!p0 s17, s12;
	[sflag:s31] =	ssyncset.done $0x0  }
0x88: {  	s15 =	simm.s32 @!p0 $0x1B6A0;
	s14 =	simm.s32 @!p0 $0x0;
	[sflag:s31] =	ssyncadd.s32 $0xFFFFF830  }
0x89: {  	[hbm4b:s1+s14] =	stream.linear.scatter @!p0 [tilespmem:s15], [sflag:$0x3], $0x7D0, $0x38;
	[tilespmem:$0x1DEA0] =	vst v63  }
0x8a: {  	s1 =	simm.s32 @!p0 $0x3  }
0x8b: {  	_ =	swait.ge @!p0 [sflag:s1], $0x7D0  }
0x8c: {  	[sflag:s1] =	ssyncset.done @!p0 $0x0  }
0x8d: {  	[sflag:s1] =	ssyncadd.s32 @!p0 $0xFFFFF830  }
0x8e: {  	s9 =	sadd.s32 $0x1, s9;
	s1 =	rddreg [dreg:$0x0]  }
0x8f: {  	p1 =	sne.s32 s9, $0x19;
	s1 =	sadd.s32 @!p0 s1, s12;
	s12 =	simm.s32 @!p0 $0x1AEA0  }
0x90: {  	[hbm4b:s1+s14] =	stream.linear.scatter @!p0 [tilespmem:s12], [sflag:$0x2], $0x7D0, $0x38;
	[tilespmem:$0x1DEA0] =	vst v63  }
.Ltmp5:
0x91: {  	_ = 	snop;
	(pc) =	sbr.rel @p1 .LBB2_11-.Ltmp5, $4  }
0x92: {  	s1 =	simm.s32 @!p0 $0x2  }
0x93: {  	_ =	swait.ge @!p0 [sflag:s1], $0x7D0  }
0x94: {  	[sflag:s1] =	ssyncset.done @!p0 $0x0  }
0x95: {  	[sflag:s1] =	ssyncadd.s32 @!p0 $0xFFFFF830  }
0x96: {  	s8 =	sadd.s32 $0x1, s8  }
0x97: {  	p0 =	sne.s32 s8, $0x3  }
.Ltmp6:
0x98: {  	_ = 	snop;
	(pc) =	sbr.rel @p0 .LBB2_6-.Ltmp6, $3  }
0x99: {  	_ =	sdelay $0x1  }
0x9a: {  	[bflag:$0x0] =	sbarrier.arrive $0xFFFF  }
0x9b: {  	s7 =	simm.s32 $0x0  }
0x9c: {  	s8 =	simm.s32 $0x0  }
.LBB2_16:
0x9d: {  	s1 =	smul.u32 $0x7D0, s8;
	_ =	sdelay $0x1  }
0x9e: {  	s12 =	sadd.s32 s19, s1  }
0x9f: {  	s9 =	sadd.s32 s12, s2  }
0xa0: {  	[tilespmem:s21], [sflag:$0x2] =	stream.linear.gather [spmem:s9], $0x7D0, $0x38;
	[tilespmem:$0x1DEA0] =	vst v63  }
0xa1: {  	_ =	swait.ge [sflag:s22], $0x7D0  }
0xa2: {  	s1 =	sshrl.u32 s12, $0x3;
	[sflag:s22] =	ssyncset.done $0x0;
	s14 =	rddreg [dreg:$0x9]  }
0xa3: {  	[sflag:s22] =	ssyncadd.s32 $0xFFFFF830;
	s14 =	sadd.s32 s14, s1  }
0xa4: {  	[tilespmem:s0], [sflag:$0x2] =	stream.linear.gather [hbm4b:s14+s7], $0x7D0, $0x38;
	[tilespmem:$0x1DEA0] =	vst v63  }
0xa5: {  	_ =	swait.ge [sflag:s22], $0x7D0  }
0xa6: {  	[sflag:s22] =	ssyncset.done $0x0;
	s18 =	rddreg [dreg:$0xc]  }
0xa7: {  	[sflag:s22] =	ssyncadd.s32 $0xFFFFF830;
	s1 =	sadd.s32 s18, s1  }
0xa8: {  	[tilespmem:s13], [sflag:$0x2] =	stream.linear.gather [hbm4b:s1+s7], $0x7D0, $0x38;
	[tilespmem:$0x1DEA0] =	vst v63  }
0xa9: {  	_ =	swait.ge [sflag:s22], $0x7D0  }
0xaa: {  	[sflag:s22] =	ssyncset.done $0x0  }
0xab: {  	s14 =	simm.s32 $0x0;
	[sflag:s22] =	ssyncadd.s32 $0xFFFFF830  }
0xac: {  	v3 =	vld [tilespmem:s14+$0x1A6A0];
	_ =	sdelay $0x4  }
0xad: {  	v4 =	vand.u32 $0x7FFFFFFF, v3  }
0xae: {  	v5 =	vand.u32 $0x7FFFFF, v4  }
0xaf: {  	v5 =	vor.u32 $0x3F800000, v5  }
0xb0: {  	v6 =	vadd.f32 $1.000000000e+00, v5;
	_ =	sdelay $0x1  }
0xb1: {  	(erf) = vrcp.f32 v6;
	_ =	sdelay $0x7  }
0xb2: {  	v5 =	vadd.f32 $-1.000000000e+00, v5  }
0xb3: {  	v6 =	vpop (erf)  }
0xb4: {  	v5 =	vmul.f32 v6, v5;
	_ =	sdelay $0x1  }
0xb5: {  	v6 =	vmul.f32 v5, v5;
	_ =	sdelay $0x1  }
0xb6: {  	v7 =	vmul.f32 $4.121985730e-01, v6;
	_ =	sdelay $0x1  }
0xb7: {  	v7 =	vadd.f32 $5.770780440e-01, v7;
	_ =	sdelay $0x1  }
0xb8: {  	v7 =	vmul.f32 v7, v6;
	_ =	sdelay $0x1  }
0xb9: {  	v7 =	vadd.f32 $9.617967000e-01, v7;
	_ =	sdelay $0x1  }
0xba: {  	v6 =	vmul.f32 v7, v6;
	_ =	sdelay $0x1  }
0xbb: {  	v4 =	vshrl.u32 v4, $0x17;
	v6 =	vadd.f32 $2.885390040e+00, v6  }
0xbc: {  	v4 =	vadd.s32 $0xFFFFFF81, v4  }
0xbd: {  	v4 =	vcvt.s32.f32 v4;
	v5 =	vmul.f32 v6, v5;
	_ =	sdelay $0x1  }
0xbe: {  	v4 =	vadd.f32 v4, v5;
	_ =	sdelay $0x1  }
0xbf: {  	v4 =	vmul.f32 $1.283708570e+00, v4;
	_ =	sdelay $0x1  }
0xc0: {  	v4 =	vmul.f32 $1.442695020e+00, v4;
	_ =	sdelay $0x1  }
0xc1: {  	(erf) = vpow2.f32 v4;
	_ =	sdelay $0x4  }
0xc2: {  	v4 =	vld [tilespmem:s14+$0x1AEA0];
	_ =	sdelay $0x1  }
0xc3: {  	v5 =	vld [tilespmem:s14+$0x1B6A0];
	_ =	sdelay $0x1  }
0xc4: {  	vm0 =	vlt.f32 v3, $0.0e+00;
	vm1 =	vgt.f32 v3, $0.0e+00;
	v6 =	vand.u32 $0x80000000, v3;
	v7 =	vpop (erf)  }
0xc5: {  	vm0 =	vmor vm1, vm0;
	v6 =	vor.u32 v6, v2;
	v4 =	vmul.f32 v7, v4  }
0xc6: {  	v3 =	vsel vm0, v6, v3  }
0xc7: {  	s16 =	simm.s32 $0x40;
	s15 =	simm.s32 $0x80;
	v3 =	vmul.f32 v4, v3;
	v4 =	vmul.f32 v5, v1  }
.LBB2_17:
0xc8: {  	p0 =	sne.s32 s15, $0x1F00  }
0xc9: {  	s1 =	sshra.s32 s16, $0x2;
	s16 =	smov.u32 s15;
	[tilespmem:s14+$0x1A6A0] =	vst v3;
	v3 =	vadd.f32 v3, v4  }
0xca: {  	v4 =	vld [tilespmem:s1+$0x1A6A0]  }
0xcb: {  	[tilespmem:s14+$0x1B6A0] =	vst v3;
	s14 =	smov.u32 s1;
	_ =	sdelay $0x3  }
0xcc: {  	v3 =	vand.u32 $0x7FFFFFFF, v4  }
0xcd: {  	v5 =	vand.u32 $0x7FFFFF, v3  }
0xce: {  	v5 =	vor.u32 $0x3F800000, v5  }
0xcf: {  	v6 =	vadd.f32 $1.000000000e+00, v5;
	_ =	sdelay $0x1  }
0xd0: {  	(erf) = vrcp.f32 v6;
	_ =	sdelay $0x7  }
0xd1: {  	v5 =	vadd.f32 $-1.000000000e+00, v5  }
0xd2: {  	v6 =	vpop (erf)  }
0xd3: {  	v5 =	vmul.f32 v6, v5;
	_ =	sdelay $0x1  }
0xd4: {  	v6 =	vmul.f32 v5, v5;
	_ =	sdelay $0x1  }
0xd5: {  	v7 =	vmul.f32 $4.121985730e-01, v6;
	_ =	sdelay $0x1  }
0xd6: {  	v7 =	vadd.f32 $5.770780440e-01, v7;
	_ =	sdelay $0x1  }
0xd7: {  	v7 =	vmul.f32 v7, v6;
	_ =	sdelay $0x1  }
0xd8: {  	v7 =	vadd.f32 $9.617967000e-01, v7;
	_ =	sdelay $0x1  }
0xd9: {  	v6 =	vmul.f32 v7, v6;
	_ =	sdelay $0x1  }
0xda: {  	v3 =	vshrl.u32 v3, $0x17;
	v6 =	vadd.f32 $2.885390040e+00, v6  }
0xdb: {  	v3 =	vadd.s32 $0xFFFFFF81, v3  }
0xdc: {  	v3 =	vcvt.s32.f32 v3;
	v5 =	vmul.f32 v6, v5;
	_ =	sdelay $0x1  }
0xdd: {  	v3 =	vadd.f32 v3, v5;
	_ =	sdelay $0x1  }
0xde: {  	v3 =	vmul.f32 $1.283708570e+00, v3;
	_ =	sdelay $0x1  }
0xdf: {  	v3 =	vmul.f32 $1.442695020e+00, v3;
	_ =	sdelay $0x1  }
0xe0: {  	(erf) = vpow2.f32 v3;
	_ =	sdelay $0x4  }
0xe1: {  	v3 =	vld [tilespmem:s14+$0x1AEA0];
	_ =	sdelay $0x1  }
0xe2: {  	v5 =	vld [tilespmem:s14+$0x1B6A0]  }
.Ltmp7:
0xe3: {  	(pc) =	sbr.rel @p0 .LBB2_17-.Ltmp7, $4  }
0xe4: {  	vm0 =	vlt.f32 v4, $0.0e+00;
	vm1 =	vgt.f32 v4, $0.0e+00;
	v6 =	vand.u32 $0x80000000, v4;
	v7 =	vpop (erf)  }
0xe5: {  	vm0 =	vmor vm1, vm0;
	v6 =	vor.u32 v6, v2;
	v3 =	vmul.f32 v7, v3  }
0xe6: {  	v4 =	vsel vm0, v6, v4  }
0xe7: {  	s15 =	sadd.s32 $0x40, s15;
	v3 =	vmul.f32 v3, v4;
	v4 =	vmul.f32 v5, v1  }
0xe8: {  	_ = 	snop  }
0xe9: {  	s1 =	sshra.s32 s16, $0x2;
	[tilespmem:s14+$0x1A6A0] =	vst v3  }
0xea: {  	v5 =	vld [tilespmem:s1+$0x1A6A0];
	_ =	sdelay $0x4  }
0xeb: {  	v6 =	vand.u32 $0x7FFFFFFF, v5  }
0xec: {  	v7 =	vand.u32 $0x7FFFFF, v6  }
0xed: {  	v7 =	vor.u32 $0x3F800000, v7  }
0xee: {  	v8 =	vadd.f32 $1.000000000e+00, v7;
	_ =	sdelay $0x1  }
0xef: {  	(erf) = vrcp.f32 v8;
	_ =	sdelay $0x7  }
0xf0: {  	v7 =	vadd.f32 $-1.000000000e+00, v7  }
0xf1: {  	v8 =	vpop (erf)  }
0xf2: {  	v7 =	vmul.f32 v8, v7;
	_ =	sdelay $0x1  }
0xf3: {  	v8 =	vmul.f32 v7, v7;
	_ =	sdelay $0x1  }
0xf4: {  	v9 =	vmul.f32 $4.121985730e-01, v8;
	_ =	sdelay $0x1  }
0xf5: {  	v9 =	vadd.f32 $5.770780440e-01, v9;
	_ =	sdelay $0x1  }
0xf6: {  	v9 =	vmul.f32 v9, v8;
	_ =	sdelay $0x1  }
0xf7: {  	v9 =	vadd.f32 $9.617967000e-01, v9;
	_ =	sdelay $0x1  }
0xf8: {  	v8 =	vmul.f32 v9, v8;
	_ =	sdelay $0x1  }
0xf9: {  	v6 =	vshrl.u32 v6, $0x17;
	v8 =	vadd.f32 $2.885390040e+00, v8  }
0xfa: {  	v6 =	vadd.s32 $0xFFFFFF81, v6  }
0xfb: {  	v6 =	vcvt.s32.f32 v6;
	v7 =	vmul.f32 v8, v7;
	_ =	sdelay $0x1  }
0xfc: {  	v6 =	vadd.f32 v6, v7;
	_ =	sdelay $0x1  }
0xfd: {  	v6 =	vmul.f32 $1.283708570e+00, v6;
	_ =	sdelay $0x1  }
0xfe: {  	v6 =	vmul.f32 $1.442695020e+00, v6;
	_ =	sdelay $0x1  }
0xff: {  	(erf) = vpow2.f32 v6;
	_ =	sdelay $0x1  }
0x100: {  	v3 =	vadd.f32 v3, v4;
	_ =	sdelay $0x1  }
0x101: {  	[tilespmem:s14+$0x1B6A0] =	vst v3  }
0x102: {  	v3 =	vld [tilespmem:s1+$0x1AEA0];
	_ =	sdelay $0x1  }
0x103: {  	v61 =	vld [tilespmem:s1+$0x1B6A0];
	_ =	sdelay $0x1  }
0x104: {  	v62 =	vand.u32 $0x80000000, v5;
	vm0 =	vlt.f32 v5, $0.0e+00;
	vm1 =	vgt.f32 v5, $0.0e+00;
	v63 =	vpop (erf)  }
0x105: {  	vm0 =	vmor vm1, vm0;
	v6 =	vor.u32 v62, v2;
	v3 =	vmul.f32 v63, v3  }
0x106: {  	v5 =	vsel vm0, v6, v5  }
0x107: {  	v4 =	vmul.f32 v61, v1;
	v3 =	vmul.f32 v3, v5;
	_ =	sdelay $0x1  }
0x108: {  	v4 =	vadd.f32 v3, v4  }
0x109: {  	[tilespmem:s1+$0x1A6A0] =	vst v3  }
0x10a: {  	s18 =	sadd.s32 s12, s3;
	[tilespmem:s1+$0x1B6A0] =	vst v4  }
0x10b: {  	[spmem:s18] =	stream.linear.scatter [tilespmem:s21], [sflag:$0x2], $0x7D0, $0x38;
	[tilespmem:$0x1DEA0] =	vst v63  }
0x10c: {  	s8 =	sadd.s32 $0x1, s8;
	_ =	swait.ge [sflag:s22], $0x7D0  }
0x10d: {  	p0 =	sne.s32 s8, $0x19;
	[sflag:s22] =	ssyncset.done $0x0  }
.Ltmp8:
0x10e: {  	[sflag:s22] =	ssyncadd.s32 $0xFFFFF830;
	(pc) =	sbr.rel @p0 .LBB2_16-.Ltmp8, $4  }
0x10f: {  	[spmem:s9] =	stream.linear.scatter [tilespmem:s13], [sflag:$0x2], $0x7D0, $0x38;
	[tilespmem:$0x1DEA0] =	vst v63  }
0x110: {  	_ =	swait.ge [sflag:s22], $0x7D0  }
0x111: {  	[sflag:s22] =	ssyncset.done $0x0  }
0x112: {  	[sflag:s22] =	ssyncadd.s32 $0xFFFFF830  }
0x113: {  	[bflag:$0x0] =	sbarrier.arrive $0xFFFF  }
0x114: {  	s14 =	rddreg [dreg:$0x5]  }
0x115: {  	s15 =	rddreg [dreg:$0x6]  }
0x116: {  	s7 =	simm.s32 $0x0;
	s8 =	simm.s32 $0x0;
	s16 =	rddreg [dreg:$0x7]  }
.LBB2_20:
0x117: {  	s1 =	sshll.u32 s8, $0xB  }
0x118: {  	s1 =	sadd.s32 s23, s1  }
0x119: {  	s1 =	sshrl.u32 s1, $0x3  }
0x11a: {  	s9 =	sadd.s32 s15, s1  }
0x11b: {  	[tilespmem:s24], [sflag:$0x2] =	stream.linear.gather [hbm4b:s9+s7], $0x800, $0x38;
	[tilespmem:$0x1DEA0] =	vst v63  }
0x11c: {  	_ =	swait.ge [sflag:s22], $0x800  }
0x11d: {  	[sflag:s22] =	ssyncset.done $0x0  }
0x11e: {  	s18 =	sadd.s32 s16, s1;
	[sflag:s22] =	ssyncadd.s32 $0xFFFFF800  }
0x11f: {  	[tilespmem:s25], [sflag:$0x2] =	stream.linear.gather [hbm4b:s18+s7], $0x800, $0x38;
	[tilespmem:$0x1DEA0] =	vst v63  }
0x120: {  	_ =	swait.ge [sflag:s22], $0x800  }
0x121: {  	[sflag:s22] =	ssyncset.done $0x0  }
0x122: {  	s1 =	sadd.s32 s14, s1;
	[sflag:s22] =	ssyncadd.s32 $0xFFFFF800  }
0x123: {  	[tilespmem:s26], [sflag:$0x2] =	stream.linear.gather [hbm4b:s1+s7], $0x800, $0x38;
	[tilespmem:$0x1DEA0] =	vst v63  }
0x124: {  	_ =	swait.ge [sflag:s22], $0x800  }
0x125: {  	[sflag:s22] =	ssyncset.done $0x0  }
0x126: {  	[sflag:s22] =	ssyncadd.s32 $0xFFFFF800  }
0x127: {  	[tilespmem:s29], [sflag:$0x1] =	stream.indirect.gather [spmem:s3], $0x1, s24, s28, $0xb8;
	[tilespmem:$0x1DEA0] =	vst v63  }
0x128: {  	_ =	swait.ge [sflag:s30], $0x800  }
0x129: {  	[sflag:s30] =	ssyncset.done $0x0  }
0x12a: {  	s9 =	simm.s32 $0x0;
	[sflag:s30] =	ssyncadd.s32 $0xFFFFF800  }
0x12b: {  	s12 =	simm.s32 $0x40;
	v3 =	vld [tilespmem:s9+$0x196A0]  }
.LBB2_21:
0x12c: {  	p0 =	sne.s32 s12, $0x1FC0;
	v4 =	vld [tilespmem:s9+$0x19EA0];
	_ =	sdelay $0x2  }
.Ltmp9:
0x12d: {  	(pc) =	sbr.rel @p0 .LBB2_21-.Ltmp9, $4  }
0x12e: {  	_ = 	snop  }
0x12f: {  	v4 =	vmul.f32 v3, v4  }
0x130: {  	s1 =	sshra.s32 s12, $0x2  }
0x131: {  	s12 =	sadd.s32 $0x40, s12;
	v3 =	vld [tilespmem:s1+$0x196A0];
	[tilespmem:s9+$0x19EA0] =	vst v4;
	s9 =	smov.u32 s1  }
0x132: {  	v4 =	vld [tilespmem:s9+$0x19EA0];
	_ =	sdelay $0x4  }
0x133: {  	s8 =	sadd.s32 $0x1, s8;
	v3 =	vmul.f32 v3, v4  }
0x134: {  	p0 =	sne.s32 s8, $0x62  }
.Ltmp10:
0x135: {  	[tilespmem:s9+$0x19EA0] =	vst v3;
	(pc) =	sbr.rel @p0 .LBB2_20-.Ltmp10, $4  }
0x136: {  	[spmem:s2] =	stream.indirect.scatter.add.f32 [tilespmem:s29], [sflag:$0x2], $0x1, s26, s28, $0xb8;
	[tilespmem:$0x1DEA0] =	vst v63  }
0x137: {  	_ =	swait.ge [sflag:s22], $0x800  }
0x138: {  	[sflag:s22] =	ssyncset.done $0x0  }
0x139: {  	[sflag:s22] =	ssyncadd.s32 $0xFFFFF800  }
0x13a: {  	[bflag:$0x0] =	sbarrier.arrive $0xFFFF;
	s8 =	simm.s32 $0x0;
	s9 =	simm.s32 $0x0  }
.LBB2_24:
0x13b: {  	s1 =	smul.u32 $0x7D0, s9;
	_ =	sdelay $0x1  }
0x13c: {  	s1 =	sadd.s32 s19, s1  }
0x13d: {  	s15 =	sadd.s32 s1, s2  }
0x13e: {  	[tilespmem:s21], [sflag:$0x2] =	stream.linear.gather [spmem:s15], $0x7D0, $0x38;
	[tilespmem:$0x1DEA0] =	vst v63  }
0x13f: {  	_ =	swait.ge [sflag:s22], $0x7D0  }
0x140: {  	[sflag:s22] =	ssyncset.done $0x0  }
0x141: {  	s12 =	sadd.s32 s1, s3;
	[sflag:s22] =	ssyncadd.s32 $0xFFFFF830  }
0x142: {  	[tilespmem:s0], [sflag:$0x2] =	stream.linear.gather [spmem:s12], $0x7D0, $0x38;
	[tilespmem:$0x1DEA0] =	vst v63  }
0x143: {  	_ =	swait.ge [sflag:s22], $0x7D0  }
0x144: {  	s16 =	sshrl.u32 s1, $0x3;
	[sflag:s22] =	ssyncset.done $0x0;
	s7 =	rddreg [dreg:$0xc]  }
0x145: {  	[sflag:s22] =	ssyncadd.s32 $0xFFFFF830;
	s7 =	sadd.s32 s7, s16  }
0x146: {  	[tilespmem:s13], [sflag:$0x2] =	stream.linear.gather [hbm4b:s7+s8], $0x7D0, $0x38;
	[tilespmem:$0x1DEA0] =	vst v63  }
0x147: {  	_ =	swait.ge [sflag:s22], $0x7D0  }
0x148: {  	[sflag:s22] =	ssyncset.done $0x0  }
0x149: {  	s14 =	sadd.s32 s11, s16;
	[sflag:s22] =	ssyncadd.s32 $0xFFFFF830  }
0x14a: {  	[tilespmem:s20], [sflag:$0x2] =	stream.linear.gather [hbm4b:s14+s8], $0x7D0, $0x38;
	[tilespmem:$0x1DEA0] =	vst v63  }
0x14b: {  	_ =	swait.ge [sflag:s22], $0x7D0  }
0x14c: {  	[sflag:s22] =	ssyncset.done $0x0;
	s18 =	rddreg [dreg:$0x9]  }
0x14d: {  	s14 =	simm.s32 $0x1C6A0;
	[sflag:s22] =	ssyncadd.s32 $0xFFFFF830;
	s1 =	sadd.s32 s18, s16  }
0x14e: {  	[tilespmem:s14], [sflag:$0x2] =	stream.linear.gather [hbm4b:s1+s8], $0x7D0, $0x38;
	[tilespmem:$0x1DEA0] =	vst v63  }
0x14f: {  	_ =	swait.ge [sflag:s22], $0x7D0  }
0x150: {  	[sflag:s22] =	ssyncset.done $0x0  }
0x151: {  	[sflag:s22] =	ssyncadd.s32 $0xFFFFF830  }
0x152: {  	s14 =	rddreg [dreg:$0x0]  }
0x153: {  	s18 =	simm.s32 $0x1CEA0;
	s1 =	sadd.s32 s14, s16  }
0x154: {  	[tilespmem:s18], [sflag:$0x2] =	stream.linear.gather [hbm4b:s1+s8], $0x7D0, $0x38;
	[tilespmem:$0x1DEA0] =	vst v63  }
0x155: {  	_ =	swait.ge [sflag:s22], $0x7D0  }
0x156: {  	[sflag:s22] =	ssyncset.done $0x0;
	s14 =	rddreg [dreg:$0x8]  }
0x157: {  	s18 =	simm.s32 $0x1D6A0;
	[sflag:s22] =	ssyncadd.s32 $0xFFFFF830;
	s1 =	sadd.s32 s14, s16  }
0x158: {  	[tilespmem:s18], [sflag:$0x2] =	stream.linear.gather [hbm4b:s1+s8], $0x7D0, $0x38;
	[tilespmem:$0x1DEA0] =	vst v63  }
0x159: {  	_ =	swait.ge [sflag:s22], $0x7D0  }
0x15a: {  	[sflag:s22] =	ssyncset.done $0x0  }
0x15b: {  	s14 =	simm.s32 $0x0;
	[sflag:s22] =	ssyncadd.s32 $0xFFFFF830  }
0x15c: {  	s18 =	simm.s32 $0x40;
	v3 =	vld [tilespmem:s14+$0x1BEA0]  }
.LBB2_25:
0x15d: {  	p0 =	sne.s32 s18, $0x1F00;
	v4 =	vld [tilespmem:s14+$0x1B6A0]  }
0x15e: {  	v5 =	vld [tilespmem:s14+$0x1C6A0]  }
0x15f: {  	v6 =	vld [tilespmem:s14+$0x1AEA0];
	_ =	sdelay $0x1  }
0x160: {  	v7 =	vld [tilespmem:s14+$0x1A6A0]  }
0x161: {  	v4 =	vmul.f32 v4, v1  }
0x162: {  	(erf) = vrcp.f32 v5  }
0x163: {  	v5 =	vsub.f32 $1.000000000e+00, v3;
	v4 =	vadd.f32 v4, v6;
	_ =	sdelay $0x1  }
0x164: {  	v3 =	vmul.f32 v7, v3;
	v4 =	vmul.f32 v4, v5;
	_ =	sdelay $0x1  }
0x165: {  	v3 =	vadd.f32 v4, v3;
	_ =	sdelay $0x1  }
0x166: {  	v6 =	vsub.f32 v3, v6;
	v5 =	vand.u32 $0x7FFFFFFF, v3;
	[tilespmem:s14+$0x1A6A0] =	vst v3  }
0x167: {  	v5 =	vadd.f32 $9.999999960e-13, v5  }
0x168: {  	[tilespmem:s14+$0x1AEA0] =	vst v6;
	v4 =	vpop (erf)  }
0x169: {  	v4 =	vmul.f32 v5, v4;
	_ =	sdelay $0x1  }
0x16a: {  	v5 =	vand.u32 $0x7FFFFF, v4  }
0x16b: {  	v5 =	vor.u32 $0x3F800000, v5  }
0x16c: {  	v6 =	vadd.f32 $1.000000000e+00, v5;
	_ =	sdelay $0x1  }
0x16d: {  	(erf) = vrcp.f32 v6;
	_ =	sdelay $0x7  }
0x16e: {  	v5 =	vadd.f32 $-1.000000000e+00, v5  }
0x16f: {  	v6 =	vpop (erf)  }
0x170: {  	v5 =	vmul.f32 v6, v5;
	_ =	sdelay $0x1  }
0x171: {  	v6 =	vmul.f32 v5, v5;
	_ =	sdelay $0x1  }
0x172: {  	v7 =	vmul.f32 $4.121985730e-01, v6;
	_ =	sdelay $0x1  }
0x173: {  	v7 =	vadd.f32 $5.770780440e-01, v7;
	_ =	sdelay $0x1  }
0x174: {  	v7 =	vmul.f32 v7, v6;
	_ =	sdelay $0x1  }
0x175: {  	v7 =	vadd.f32 $9.617967000e-01, v7;
	_ =	sdelay $0x1  }
0x176: {  	v6 =	vmul.f32 v7, v6;
	_ =	sdelay $0x1  }
0x177: {  	v4 =	vshrl.u32 v4, $0x17;
	v6 =	vadd.f32 $2.885390040e+00, v6  }
0x178: {  	v4 =	vadd.s32 $0xFFFFFF81, v4  }
0x179: {  	v4 =	vcvt.s32.f32 v4;
	v5 =	vmul.f32 v6, v5;
	_ =	sdelay $0x1  }
0x17a: {  	v4 =	vadd.f32 v4, v5;
	_ =	sdelay $0x1  }
0x17b: {  	v4 =	vmul.f32 $3.742695450e-01, v4;
	_ =	sdelay $0x1  }
0x17c: {  	v4 =	vmul.f32 $1.442695020e+00, v4;
	_ =	sdelay $0x1  }
0x17d: {  	(erf) = vpow2.f32 v4;
	_ =	sdelay $0x4  }
0x17e: {  	v4 =	vld [tilespmem:s14+$0x1D6A0];
	_ =	sdelay $0x1  }
0x17f: {  	v8 =	vand.u32 $0x80000000, v3;
	vm0 =	vlt.f32 v3, $0.0e+00;
	vm1 =	vgt.f32 v3, $0.0e+00;
	v6 =	vld [tilespmem:s14+$0x1CEA0]  }
0x180: {  	vm0 =	vmor vm1, vm0;
	v7 =	vor.u32 v8, v2  }
0x181: {  	v3 =	vsel vm0, v7, v3;
	v5 =	vpop (erf)  }
0x182: {  	v3 =	vmul.f32 v5, v3;
	v5 =	vsub.f32 $1.000000000e+00, v4;
	_ =	sdelay $0x1  }
.Ltmp11:
0x183: {  	v4 =	vmul.f32 v6, v4;
	v3 =	vmul.f32 v3, v5;
	(pc) =	sbr.rel @p0 .LBB2_25-.Ltmp11, $4  }
0x184: {  	_ = 	snop  }
0x185: {  	v4 =	vadd.f32 v3, v4  }
0x186: {  	s1 =	sshra.s32 s18, $0x2  }
0x187: {  	s18 =	sadd.s32 $0x40, s18;
	v3 =	vld [tilespmem:s1+$0x1BEA0];
	[tilespmem:s14+$0x1B6A0] =	vst v4;
	s14 =	smov.u32 s1  }
0x188: {  	v4 =	vld [tilespmem:s14+$0x1B6A0]  }
0x189: {  	v5 =	vld [tilespmem:s14+$0x1C6A0]  }
0x18a: {  	v6 =	vld [tilespmem:s14+$0x1AEA0];
	_ =	sdelay $0x1  }
0x18b: {  	v7 =	vld [tilespmem:s14+$0x1A6A0]  }
0x18c: {  	v4 =	vmul.f32 v4, v1  }
0x18d: {  	(erf) = vrcp.f32 v5  }
0x18e: {  	v5 =	vsub.f32 $1.000000000e+00, v3;
	v4 =	vadd.f32 v4, v6;
	_ =	sdelay $0x1  }
0x18f: {  	v3 =	vmul.f32 v7, v3;
	v4 =	vmul.f32 v4, v5;
	_ =	sdelay $0x1  }
0x190: {  	v3 =	vadd.f32 v4, v3;
	_ =	sdelay $0x1  }
0x191: {  	v4 =	vand.u32 $0x7FFFFFFF, v3  }
0x192: {  	v4 =	vadd.f32 $9.999999960e-13, v4  }
0x193: {  	v5 =	vpop (erf)  }
0x194: {  	v4 =	vmul.f32 v4, v5;
	_ =	sdelay $0x1  }
0x195: {  	v5 =	vand.u32 $0x7FFFFF, v4  }
0x196: {  	v5 =	vor.u32 $0x3F800000, v5  }
0x197: {  	v62 =	vadd.f32 $1.000000000e+00, v5;
	_ =	sdelay $0x1  }
0x198: {  	(erf) = vrcp.f32 v62;
	_ =	sdelay $0x7  }
0x199: {  	v5 =	vadd.f32 $-1.000000000e+00, v5  }
0x19a: {  	v7 =	vpop (erf)  }
0x19b: {  	v5 =	vmul.f32 v7, v5;
	_ =	sdelay $0x1  }
0x19c: {  	v7 =	vmul.f32 v5, v5;
	_ =	sdelay $0x1  }
0x19d: {  	v8 =	vmul.f32 $4.121985730e-01, v7;
	_ =	sdelay $0x1  }
0x19e: {  	v8 =	vadd.f32 $5.770780440e-01, v8;
	_ =	sdelay $0x1  }
0x19f: {  	v8 =	vmul.f32 v8, v7;
	_ =	sdelay $0x1  }
0x1a0: {  	v8 =	vadd.f32 $9.617967000e-01, v8;
	_ =	sdelay $0x1  }
0x1a1: {  	v7 =	vmul.f32 v8, v7;
	_ =	sdelay $0x1  }
0x1a2: {  	v4 =	vshrl.u32 v4, $0x17;
	v7 =	vadd.f32 $2.885390040e+00, v7  }
0x1a3: {  	v4 =	vadd.s32 $0xFFFFFF81, v4  }
0x1a4: {  	v4 =	vcvt.s32.f32 v4;
	v5 =	vmul.f32 v7, v5;
	_ =	sdelay $0x1  }
0x1a5: {  	v4 =	vadd.f32 v4, v5;
	_ =	sdelay $0x1  }
0x1a6: {  	v4 =	vmul.f32 $3.742695450e-01, v4;
	_ =	sdelay $0x1  }
0x1a7: {  	v4 =	vmul.f32 $1.442695020e+00, v4;
	_ =	sdelay $0x1  }
0x1a8: {  	(erf) = vpow2.f32 v4;
	_ =	sdelay $0x2  }
0x1a9: {  	v4 =	vsub.f32 v3, v6;
	_ =	sdelay $0x1  }
0x1aa: {  	v5 =	vand.u32 $0x80000000, v3;
	[tilespmem:s14+$0x1AEA0] =	vst v4;
	v4 =	vld [tilespmem:s14+$0x1D6A0]  }
0x1ab: {  	v5 =	vor.u32 v5, v2  }
0x1ac: {  	v63 =	vld [tilespmem:s14+$0x1CEA0];
	vm0 =	vlt.f32 v3, $0.0e+00;
	vm1 =	vgt.f32 v3, $0.0e+00  }
0x1ad: {  	vm0 =	vmor vm1, vm0  }
0x1ae: {  	[tilespmem:s14+$0x1A6A0] =	vst v3;
	v3 =	vsel vm0, v5, v3;
	v5 =	vpop (erf)  }
0x1af: {  	v3 =	vmul.f32 v5, v3;
	v5 =	vsub.f32 $1.000000000e+00, v4;
	_ =	sdelay $0x1  }
0x1b0: {  	v4 =	vmul.f32 v63, v4;
	v3 =	vmul.f32 v3, v5;
	_ =	sdelay $0x1  }
0x1b1: {  	v3 =	vadd.f32 v3, v4  }
0x1b2: {  	s1 =	rddreg [dreg:$0xb]  }
0x1b3: {  	s1 =	sadd.s32 s1, s16;
	[tilespmem:s14+$0x1B6A0] =	vst v3;
	s14 =	simm.s32 $0x0  }
0x1b4: {  	[hbm4b:s1+s14] =	stream.linear.scatter [tilespmem:s21], [sflag:$0x2], $0x7D0, $0x38;
	[tilespmem:$0x1DEA0] =	vst v63  }
0x1b5: {  	_ =	swait.ge [sflag:s22], $0x7D0  }
0x1b6: {  	[sflag:s22] =	ssyncset.done $0x0  }
0x1b7: {  	[sflag:s22] =	ssyncadd.s32 $0xFFFFF830  }
0x1b8: {  	[hbm4b:s7+s14] =	stream.linear.scatter [tilespmem:s0], [sflag:$0x2], $0x7D0, $0x38;
	[tilespmem:$0x1DEA0] =	vst v63  }
0x1b9: {  	_ =	swait.ge [sflag:s22], $0x7D0  }
0x1ba: {  	[sflag:s22] =	ssyncset.done $0x0  }
0x1bb: {  	[sflag:s22] =	ssyncadd.s32 $0xFFFFF830  }
0x1bc: {  	[spmem:s15] =	stream.linear.scatter [tilespmem:s13], [sflag:$0x2], $0x7D0, $0x38;
	[tilespmem:$0x1DEA0] =	vst v63  }
0x1bd: {  	_ =	swait.ge [sflag:s22], $0x7D0  }
0x1be: {  	[sflag:s22] =	ssyncset.done $0x0;
	s15 =	rddreg [dreg:$0xa]  }
0x1bf: {  	[sflag:s22] =	ssyncadd.s32 $0xFFFFF830;
	s1 =	sadd.s32 s15, s16  }
0x1c0: {  	[hbm4b:s1+s14] =	stream.linear.scatter [tilespmem:s13], [sflag:$0x2], $0x7D0, $0x38;
	[tilespmem:$0x1DEA0] =	vst v63  }
0x1c1: {  	_ =	swait.ge [sflag:s22], $0x7D0  }
0x1c2: {  	[sflag:s22] =	ssyncset.done $0x0  }
0x1c3: {  	s18 =	simm.s32 $0x1CEA0;
	s16 =	sadd.s32 s17, s16;
	[sflag:s22] =	ssyncadd.s32 $0xFFFFF830  }
0x1c4: {  	[tilespmem:s18], [sflag:$0x2] =	stream.linear.gather [hbm4b:s16+s14], $0x7D0, $0x38;
	[tilespmem:$0x1DEA0] =	vst v63  }
0x1c5: {  	_ =	swait.ge [sflag:s22], $0x7D0  }
0x1c6: {  	[sflag:s22] =	ssyncset.done $0x0  }
0x1c7: {  	s7 =	simm.s32 $0x0;
	[sflag:s22] =	ssyncadd.s32 $0xFFFFF830  }
0x1c8: {  	v3 =	vld [tilespmem:s7+$0x1CEA0];
	_ =	sdelay $0x1  }
0x1c9: {  	v4 =	vld [tilespmem:s7+$0x1B6A0];
	_ =	sdelay $0x2  }
0x1ca: {  	v3 =	vmul.f32 v3, v0;
	_ =	sdelay $0x1  }
0x1cb: {  	s15 =	simm.s32 $0x10;
	s14 =	simm.s32 $0x80;
	v3 =	vadd.f32 v3, v4  }
.LBB2_27:
0x1cc: {  	p0 =	sne.s32 s14, $0x1F00;
	v4 =	vld [tilespmem:s15+$0x1CEA0]  }
0x1cd: {  	[tilespmem:s7+$0x1B6A0] =	vst v3;
	s7 =	smov.u32 s15  }
0x1ce: {  	v3 =	vld [tilespmem:s7+$0x1B6A0]  }
.Ltmp12:
0x1cf: {  	(pc) =	sbr.rel @p0 .LBB2_27-.Ltmp12, $3  }
0x1d0: {  	_ = 	snop  }
0x1d1: {  	v4 =	vmul.f32 v4, v0;
	_ =	sdelay $0x1  }
0x1d2: {  	s15 =	sshra.s32 s14, $0x2;
	s14 =	sadd.s32 $0x40, s14;
	v3 =	vadd.f32 v4, v3  }
0x1d3: {  	v4 =	vld [tilespmem:s15+$0x1CEA0]  }
0x1d4: {  	[tilespmem:s7+$0x1B6A0] =	vst v3  }
0x1d5: {  	v3 =	vld [tilespmem:s15+$0x1B6A0];
	_ =	sdelay $0x2  }
0x1d6: {  	v4 =	vmul.f32 v4, v0;
	_ =	sdelay $0x1  }
0x1d7: {  	s9 =	sadd.s32 $0x1, s9;
	v3 =	vadd.f32 v4, v3  }
0x1d8: {  	p0 =	sne.s32 s9, $0x19  }
.Ltmp13:
0x1d9: {  	[tilespmem:s15+$0x1B6A0] =	vst v3;
	(pc) =	sbr.rel @p0 .LBB2_24-.Ltmp13, $4  }
0x1da: {  	[spmem:s12] =	stream.linear.scatter [tilespmem:s13], [sflag:$0x2], $0x7D0, $0x38;
	[tilespmem:$0x1DEA0] =	vst v63  }
0x1db: {  	_ =	swait.ge [sflag:s22], $0x7D0  }
0x1dc: {  	[sflag:s22] =	ssyncset.done $0x0  }
0x1dd: {  	[sflag:s22] =	ssyncadd.s32 $0xFFFFF830  }
0x1de: {  	s1 =	rddreg [dreg:$0xd]  }
0x1df: {  	s1 =	sadd.s32 $0x1, s1  }
0x1e0: {  	p0 =	sne.s32 s1, $0x5  }
.Ltmp14:
0x1e1: {  	_ = 	snop;
	(pc) =	sbr.rel @p0 .LBB2_5-.Ltmp14, $2  }
0x1e2: {  	_ =	sdelay $0x1  }
0x1e3: {  	[bflag:$0x0] =	sbarrier.arrive $0xFFFF;
	_ =	sdelay $0x1  }
0x1e4: {  	_ =	sfence.sel $0x180000  }
0x1e5: {  	[bflag:$0x0] =	sbarrier.arrive $0xFFFF  }
0x1e6: {  	_ =	strace $0x90000047  }
0x1e7: {  	s0 =	stileid.u32;
	[bflag:$0x2] =	sbarrier.arrive $0xFFFF  }
0x1e8: {  	p0 =	sne.s32 s0, $0x0;
	s0 =	rddreg [dreg:$0x4]  }
0x1e9: {  	s0 =	sadd.s32 @!p0 $0x100000, s0  }
0x1ea: {  	[sflag:s0] =	ssyncadd.tile.s32 @!p0 $0x1;
	_ =	shalt  }
.Lfunc_end2:
_tile_overlayer_lowered:
.L_overlay_start_2:
0x1eb: {  	(tag) =	ssettag $0x2  }
0x1ec: {  	s0 =	rddreg [dreg:$0x0];
	s2 =	stileid.u32  }
0x1ed: {  	s1 =	rddreg [dreg:$0x1];
	p0 =	sne.s32 s2, $0x0  }
0x1ee: {  	s3 =	rddreg [dreg:$0x2];
	[bflag:$0x3] =	sbarrier.arrive $0xFFFF;
	s2 =	simm.s32 @!p0 $0x1C02  }
0x1ef: {  	[timem:s3], [sflag:s2] =	dma.local @!p0 [hbm:s0], s1  }
0x1f0: {  	s0 =	simm.s32 @!p0 $0x2  }
0x1f1: {  	_ =	swait.ge @!p0 [sflag:s0], s1  }
0x1f2: {  	s1 =	ssub.s32 @!p0 $0x0, s1;
	[sflag:s0] =	ssyncset.done @!p0 $0x0  }
0x1f3: {  	[sflag:s0] =	ssyncadd.s32 @!p0 s1  }
0x1f4: {  	[bflag:$0x3] =	sbarrier.arrive $0xFFFF  }
0x1f5: {  	_ =	shalt  }

</sc_bundles>
